<compile_context>
chip_gen: v7x
topology: tpu7x:2x2x1
jax: 0.10.2.dev20260603
libtpu: 0.0.44.dev20260713+nightly
codegen_flags: <defaults>
</compile_context>

<pallas_src>
import functools

import jax
import jax.numpy as jnp
from jax import lax
from jax.experimental import pallas as pl
from jax.experimental.pallas import tpu as pltpu
from jax.experimental.pallas import tpu_sc as plsc

_H = 256
_X = 512
_Y = 512
_FILL = 16
_L = 16
_NC = 2
_NS = 16
_NW = _NC * _NS
_CH = (_X // _NW) * _Y
_NCHUNK = _CH // _L
_ZB = 4
_NGRP = _H // (2 * _ZB)


def _sc_body(hm_hbm, sm_hbm, tab_hbm, out_hbm,
             tab_v, hm_v, sm_v, h_v, sem_v, p0, p1, dsem0, dsem1):
    wid = lax.axis_index("s") * _NC + lax.axis_index("c")
    base = wid * _CH
    pltpu.sync_copy(hm_hbm.at[pl.ds(base, _CH)], hm_v)
    pltpu.sync_copy(sm_hbm.at[pl.ds(base, _CH)], sm_v)
    pltpu.sync_copy(tab_hbm, tab_v)
    tab = tab_v[...]

    @plsc.parallel_loop(0, _NCHUNK, unroll=8)
    def _prep(i):
        s = pl.ds(i * _L, _L)
        h_v[s] = jnp.clip((hm_v[s] * float(_H - 1)).astype(jnp.int32),
                          0, _H - 1)
        sem_v[s] = tab.at[sm_v[s]].get(mode="promise_in_bounds")

    def _compute(z0, pbuf):
        @plsc.parallel_loop(0, _NCHUNK, unroll=4)
        def _chunk(i):
            s = pl.ds(i * _L, _L)
            r = i >> 5
            c = (i & 31) * _L
            h = h_v[s]
            sem = sem_v[s]
            d0 = z0 - h
            for dz in range(_ZB):
                d = (d0 + dz).astype(jnp.uint32)
                pbuf[dz, r, pl.ds(c, _L)] = jnp.where(d <= _FILL, sem, 0.0)

    rows = _X // _NW
    row0 = wid * rows

    def _start(z0, pbuf, dsem):
        return pltpu.async_copy(
            pbuf, out_hbm.at[pl.ds(z0, _ZB), pl.ds(row0, rows)], dsem)

    def _drain(pbuf, dsem):
        pltpu.make_async_copy(
            pbuf, out_hbm.at[pl.ds(0, _ZB), pl.ds(row0, rows)], dsem).wait()

    def _outer(g, _):
        z0 = g * (2 * _ZB)

        @pl.when(g > 0)
        def _w0():
            _drain(p0, dsem0)
        _compute(z0, p0)
        _start(z0, p0, dsem0)

        @pl.when(g > 0)
        def _w1():
            _drain(p1, dsem1)
        _compute(z0 + _ZB, p1)
        _start(z0 + _ZB, p1, dsem1)
        return _

    lax.fori_loop(0, _NGRP, _outer, 0)
    _drain(p0, dsem0)
    _drain(p1, dsem1)


@functools.partial(
    pl.kernel,
    out_type=jax.ShapeDtypeStruct((_H, _X, _Y), jnp.float32),
    mesh=plsc.VectorSubcoreMesh(core_axis_name="c", subcore_axis_name="s"),
    scratch_types=[
        pltpu.VMEM((_L,), jnp.float32),
        pltpu.VMEM((_CH,), jnp.float32),
        pltpu.VMEM((_CH,), jnp.int32),
        pltpu.VMEM((_CH,), jnp.int32),
        pltpu.VMEM((_CH,), jnp.float32),
        pltpu.VMEM((_ZB, _X // _NW, _Y), jnp.float32),
        pltpu.VMEM((_ZB, _X // _NW, _Y), jnp.float32),
        pltpu.SemaphoreType.DMA,
        pltpu.SemaphoreType.DMA,
    ],
)
def _sc_fill(hm, sm, tab, out, *rest):
    _sc_body(hm, sm, tab, out, *rest)


def kernel(height_map, semantic_map, biome2mclabels):
    hm = height_map.reshape(_X * _Y)
    sm = semantic_map.reshape(_X * _Y)
    tab = jnp.zeros((_L,), jnp.float32).at[:10].set(biome2mclabels)
    return _sc_fill(hm, sm, tab)

# --- scband reference (transcript-rebuilt; emitter-appended) ---
"""Pipeline reference for scband-pcgvoxel-generator-36584531427830 (READ-ONLY COPY).

The authoritative reference and input builder live on the scoring server;
editing this copy changes nothing except your own understanding.
"""

import jax, jax.numpy as jnp
import numpy as np

SAMPLE_HEIGHT = 256
X, Y = 512, 512


def setup_inputs(seed: int = 0) -> dict:
    key = jax.random.key(seed)
    k1, k2 = jax.random.split(key, 2)
    # float BEV heightmap in [0,1) (pre-quantization, as in np.load('heightmap.npy'))
    height_map = jax.random.uniform(k1, (1, X, Y), dtype=jnp.float32)
    # biome id per pixel (indexes into biome2mclabels of length 10)
    semantic_map = jax.random.randint(k2, (1, X, Y), 0, 10, dtype=jnp.int32)
    # learned/lookup parameter: biome -> minecraft block label (float so it is differentiable)
    biome2mclabels = jnp.asarray([28.0, 9.0, 8.0, 1.0, 9.0, 8.0, 9.0, 8.0, 30.0, 26.0], dtype=jnp.float32)
    return {"height_map": height_map, "semantic_map": semantic_map, "biome2mclabels": biome2mclabels}


def reference(height_map, semantic_map, biome2mclabels):
    H = SAMPLE_HEIGHT
    # quantize heightmap to integer voxel heights, as in next_world()
    h = jnp.clip((height_map[0] * (H - 1)).astype(jnp.int32), 0, H - 1)  # [X, Y]
    # biome id -> block label gather (torch: biome2mclabels[semantic_map.long()])
    sem = jnp.take(biome2mclabels, semantic_map[0], axis=0)  # [X, Y] float32
    gx, gy = jnp.meshgrid(jnp.arange(h.shape[0]), jnp.arange(h.shape[1]), indexing='ij')
    vox = jnp.zeros((H, h.shape[0], h.shape[1]), dtype=jnp.float32)
    # world_voxel_t.scatter_(0, chunk_height_map, chunk_semantic_map)
    vox = vox.at[h, gx, gy].set(sem)
    # 16 additional fill passes above the surface (preproc_step loop)
    for step in range(16):
        hh = jnp.clip(h + step + 1, 0, H - 1)
        vox = vox.at[hh, gx, gy].set(sem)
    return vox

if __name__ == "__main__":
    import jax
    _d = setup_inputs()
    print(jax.jit(kernel)(*tuple(_d.values())))

</pallas_src>

<mosaic_0001>
#map = affine_map<(d0, d1) -> (0)>
#map1 = affine_map<(d0, d1) -> (0, 0, 0)>
module attributes {stable_mosaic.version = 14 : i64} {
  func.func @_sc_fill(%arg0: i32, %arg1: i32, %arg2: memref<262144xf32, #tpu.memory_space<hbm>>, %arg3: memref<262144xi32, #tpu.memory_space<hbm>>, %arg4: memref<16xf32, #tpu.memory_space<hbm>>, %arg5: memref<256x512x512xf32, #tpu.memory_space<hbm>>, %arg6: memref<16xf32, #tpu.memory_space<vmem>>, %arg7: memref<8192xf32, #tpu.memory_space<vmem>>, %arg8: memref<8192xi32, #tpu.memory_space<vmem>>, %arg9: memref<8192xi32, #tpu.memory_space<vmem>>, %arg10: memref<8192xf32, #tpu.memory_space<vmem>>, %arg11: memref<4x16x512xf32, #tpu.memory_space<vmem>>, %arg12: memref<4x16x512xf32, #tpu.memory_space<vmem>>, %arg13: memref<!tpu.dma_semaphore, #tpu.memory_space<semaphore_mem>>, %arg14: memref<!tpu.dma_semaphore, #tpu.memory_space<semaphore_mem>>) attributes {dimension_semantics = [#tpu.dimension_semantics<core_parallel>, #tpu.dimension_semantics<subcore_parallel>], iteration_bounds = array<i64: 2, 16>, scalar_prefetch = 0 : i64, scratch_operands = 9 : i64, tpu.core_type = #tpu.core_type<sc_vector_subcore>, window_params = [{transform_indices = #map}, {transform_indices = #map}, {transform_indices = #map}, {transform_indices = #map1}]} {
    %mul3A = arith.constant 2 : i32
    %mul3A_0 = arith.muli %arg1, %mul3A : i32
    %add3A = arith.addi %mul3A_0, %arg0 : i32
    %mul3A_1 = arith.constant 8192 : i32
    %mul3A_2 = arith.muli %add3A, %mul3A_1 : i32
    "tpu.region"() ({
      %run_scoped3A = tpu.sem_alloc : memref<!tpu.dma_semaphore, #tpu.memory_space<semaphore_mem>>
      %dma_start3A = tpu.memref_slice %arg2[%mul3A_2] : memref<262144xf32, #tpu.memory_space<hbm>> -> memref<8192xf32, #tpu.memory_space<hbm>>
      %dma_start3A_25 = tpu.memref_slice %arg2[%mul3A_2] : memref<262144xf32, #tpu.memory_space<hbm>> -> memref<8192xf32, #tpu.memory_space<hbm>>
      tpu.enqueue_dma source(%dma_start3A_25 : memref<8192xf32, #tpu.memory_space<hbm>>) target(%arg7 : memref<8192xf32, #tpu.memory_space<vmem>>) target_semaphore(%run_scoped3A : memref<!tpu.dma_semaphore, #tpu.memory_space<semaphore_mem>>)
      %dma_wait3A_26 = tpu.memref_slice %arg2[%mul3A_2] : memref<262144xf32, #tpu.memory_space<hbm>> -> memref<8192xf32, #tpu.memory_space<hbm>>
      %dma_wait3A_27 = tpu.memref_slice %arg2[%mul3A_2] : memref<262144xf32, #tpu.memory_space<hbm>> -> memref<8192xf32, #tpu.memory_space<hbm>>
      tpu.wait_dma2 semaphore(%run_scoped3A : memref<!tpu.dma_semaphore, #tpu.memory_space<semaphore_mem>>) src(%dma_wait3A_27 : memref<8192xf32, #tpu.memory_space<hbm>>) dst(%arg7 : memref<8192xf32, #tpu.memory_space<vmem>>)
      tpu.yield
    }) : () -> ()
    "tpu.region"() ({
      %run_scoped3A = tpu.sem_alloc : memref<!tpu.dma_semaphore, #tpu.memory_space<semaphore_mem>>
      %dma_start3A = tpu.memref_slice %arg3[%mul3A_2] : memref<262144xi32, #tpu.memory_space<hbm>> -> memref<8192xi32, #tpu.memory_space<hbm>>
      %dma_start3A_25 = tpu.memref_slice %arg3[%mul3A_2] : memref<262144xi32, #tpu.memory_space<hbm>> -> memref<8192xi32, #tpu.memory_space<hbm>>
      tpu.enqueue_dma source(%dma_start3A_25 : memref<8192xi32, #tpu.memory_space<hbm>>) target(%arg8 : memref<8192xi32, #tpu.memory_space<vmem>>) target_semaphore(%run_scoped3A : memref<!tpu.dma_semaphore, #tpu.memory_space<semaphore_mem>>)
      %dma_wait3A_26 = tpu.memref_slice %arg3[%mul3A_2] : memref<262144xi32, #tpu.memory_space<hbm>> -> memref<8192xi32, #tpu.memory_space<hbm>>
      %dma_wait3A_27 = tpu.memref_slice %arg3[%mul3A_2] : memref<262144xi32, #tpu.memory_space<hbm>> -> memref<8192xi32, #tpu.memory_space<hbm>>
      tpu.wait_dma2 semaphore(%run_scoped3A : memref<!tpu.dma_semaphore, #tpu.memory_space<semaphore_mem>>) src(%dma_wait3A_27 : memref<8192xi32, #tpu.memory_space<hbm>>) dst(%arg8 : memref<8192xi32, #tpu.memory_space<vmem>>)
      tpu.yield
    }) : () -> ()
    "tpu.region"() ({
      %run_scoped3A = tpu.sem_alloc : memref<!tpu.dma_semaphore, #tpu.memory_space<semaphore_mem>>
      tpu.enqueue_dma source(%arg4 : memref<16xf32, #tpu.memory_space<hbm>>) target(%arg6 : memref<16xf32, #tpu.memory_space<vmem>>) target_semaphore(%run_scoped3A : memref<!tpu.dma_semaphore, #tpu.memory_space<semaphore_mem>>)
      tpu.wait_dma2 semaphore(%run_scoped3A : memref<!tpu.dma_semaphore, #tpu.memory_space<semaphore_mem>>) src(%arg4 : memref<16xf32, #tpu.memory_space<hbm>>) dst(%arg6 : memref<16xf32, #tpu.memory_space<vmem>>)
      tpu.yield
    }) : () -> ()
    %get3A = arith.constant 0 : index
    %get3A_3 = tpu.vector_load %arg6[%get3A] {strides = array<i32>} : memref<16xf32, #tpu.memory_space<vmem>>, vector<16xf32>,
    %get3A_4 = vector.shape_cast %get3A_3 : vector<16xf32> to vector<16xf32>
    %parallel_loop3A = arith.constant 0 : i32
    %parallel_loop3A_5 = arith.constant 512 : i32
    %parallel_loop3A_6 = arith.constant 1 : i32
    scf.for %parallel_loop3A_25 = %parallel_loop3A to %parallel_loop3A_5 step %parallel_loop3A_6  : i32 {
      %parallel_loop3A_26 = arith.constant 16 : i32
      %parallel_loop3A_27 = arith.muli %parallel_loop3A_25, %parallel_loop3A_26 : i32
      %parallel_loop3A_28 = arith.index_cast %parallel_loop3A_27 : i32 to index
      %parallel_loop3A_29 = tpu.vector_load %arg7[%parallel_loop3A_28] {strides = array<i32>} : memref<8192xf32, #tpu.memory_space<vmem>>, vector<16xf32>,
      %parallel_loop3A_30 = vector.shape_cast %parallel_loop3A_29 : vector<16xf32> to vector<16xf32>
      %parallel_loop3A_31 = arith.constant 2.550000e+02 : f32
      %parallel_loop3A_32 = vector.broadcast %parallel_loop3A_31 : f32 to vector<16xf32>
      %parallel_loop3A_33 = arith.mulf %parallel_loop3A_30, %parallel_loop3A_32 : vector<16xf32>
      %parallel_loop3A_34 = arith.fptosi %parallel_loop3A_33 : vector<16xf32> to vector<16xi32>
      %parallel_loop3A_35 = arith.constant 0 : i32
      %parallel_loop3A_36 = arith.constant 255 : i32
      %parallel_loop3A_37 = vector.broadcast %parallel_loop3A_35 : i32 to vector<16xi32>
      %parallel_loop3A_38 = arith.maxsi %parallel_loop3A_37, %parallel_loop3A_34 : vector<16xi32>
      %parallel_loop3A_39 = vector.broadcast %parallel_loop3A_36 : i32 to vector<16xi32>
      %parallel_loop3A_40 = arith.minsi %parallel_loop3A_39, %parallel_loop3A_38 : vector<16xi32>
      %parallel_loop3A_41 = arith.index_cast %parallel_loop3A_27 : i32 to index
      %parallel_loop3A_42 = tpu.vector_load %arg9[%parallel_loop3A_41] {strides = array<i32>} : memref<8192xi32, #tpu.memory_space<vmem>>, vector<16xi32>,
      %parallel_loop3A_43 = vector.shape_cast %parallel_loop3A_42 : vector<16xi32> to vector<16xi32>
      %parallel_loop3A_44 = vector.shape_cast %parallel_loop3A_40 : vector<16xi32> to vector<16xi32>
      tpu.vector_store %arg9[%parallel_loop3A_41], %parallel_loop3A_44 {strides = array<i32>} : memref<8192xi32, #tpu.memory_space<vmem>>, vector<16xi32>,
      %parallel_loop3A_45 = arith.index_cast %parallel_loop3A_27 : i32 to index
      %parallel_loop3A_46 = tpu.vector_load %arg8[%parallel_loop3A_45] {strides = array<i32>} : memref<8192xi32, #tpu.memory_space<vmem>>, vector<16xi32>,
      %parallel_loop3A_47 = vector.shape_cast %parallel_loop3A_46 : vector<16xi32> to vector<16xi32>
      %parallel_loop3A_48 = arith.constant 0 : i32
      %parallel_loop3A_49 = vector.broadcast %parallel_loop3A_48 : i32 to vector<16xi32>
      %parallel_loop3A_50 = arith.cmpi slt, %parallel_loop3A_47, %parallel_loop3A_49 : vector<16xi32>
      %parallel_loop3A_51 = arith.constant 16 : i32
      %parallel_loop3A_52 = vector.broadcast %parallel_loop3A_51 : i32 to vector<16xi32>
      %parallel_loop3A_53 = arith.addi %parallel_loop3A_47, %parallel_loop3A_52 : vector<16xi32>
      %parallel_loop3A_54 = arith.select %parallel_loop3A_50, %parallel_loop3A_53, %parallel_loop3A_47 : vector<16xi1>, vector<16xi32>
      %parallel_loop3A_55 = vector.shape_cast %parallel_loop3A_54 : vector<16xi32> to vector<16x1xi32>
      %parallel_loop3A_56 = vector.shape_cast %parallel_loop3A_55 : vector<16x1xi32> to vector<16xi32>
      %parallel_loop3A_57 = tpu.dynamic_gather %get3A_4[%parallel_loop3A_56] in [0] : vector<16xf32>, vector<16xi32> -> vector<16xf32>
      %parallel_loop3A_58 = arith.index_cast %parallel_loop3A_27 : i32 to index
      %parallel_loop3A_59 = tpu.vector_load %arg10[%parallel_loop3A_58] {strides = array<i32>} : memref<8192xf32, #tpu.memory_space<vmem>>, vector<16xf32>,
      %parallel_loop3A_60 = vector.shape_cast %parallel_loop3A_59 : vector<16xf32> to vector<16xf32>
      %parallel_loop3A_61 = vector.shape_cast %parallel_loop3A_57 : vector<16xf32> to vector<16xf32>
      tpu.vector_store %arg10[%parallel_loop3A_58], %parallel_loop3A_61 {strides = array<i32>} : memref<8192xf32, #tpu.memory_space<vmem>>, vector<16xf32>,
    } {sc.loop_unroll_factor = 8 : i64, sc.parallel_access}
    %mul3A_7 = arith.constant 16 : i32
    %mul3A_8 = arith.muli %add3A, %mul3A_7 : i32
    %scan3A = arith.constant 0 : i32
    %scan3A_9 = arith.constant 0 : i32
    %scan3A_10 = arith.constant 32 : i32
    %scan3A_11 = arith.addi %scan3A_9, %scan3A_10 : i32
    %scan3A_12 = arith.constant 1 : i32
    scf.for %scan3A_25 = %scan3A_9 to %scan3A_11 step %scan3A_12  : i32 {
      %mul3A_26 = arith.constant 8 : i32
      %mul3A_27 = arith.muli %scan3A_25, %mul3A_26 : i32
      %gt3A = arith.constant 0 : i32
      %gt3A_28 = arith.cmpi sgt, %scan3A_25, %gt3A : i32
      %convert_element_type3A = arith.extui %gt3A_28 : i1 to i32
      %cond3A = arith.constant 0 : i32
      %cond3A_29 = arith.cmpi ne, %convert_element_type3A, %cond3A : i32
      scf.if %cond3A_29 {
        %dma_wait3A_52 = arith.constant 0 : i32
        %dma_wait3A_53 = arith.constant 0 : i32
        %dma_wait3A_54 = tpu.memref_slice %arg5[%dma_wait3A_52, %mul3A_8, %dma_wait3A_53] : memref<256x512x512xf32, #tpu.memory_space<hbm>> -> memref<4x16x512xf32, #tpu.memory_space<hbm>>
        %dma_wait3A_55 = arith.constant 0 : i32
        %dma_wait3A_56 = arith.constant 0 : i32
        %dma_wait3A_57 = tpu.memref_slice %arg5[%dma_wait3A_55, %mul3A_8, %dma_wait3A_56] : memref<256x512x512xf32, #tpu.memory_space<hbm>> -> memref<4x16x512xf32, #tpu.memory_space<hbm>>
        tpu.wait_dma2 semaphore(%arg13 : memref<!tpu.dma_semaphore, #tpu.memory_space<semaphore_mem>>) src(%arg11 : memref<4x16x512xf32, #tpu.memory_space<vmem>>) dst(%dma_wait3A_57 : memref<4x16x512xf32, #tpu.memory_space<hbm>>)
      } else {
      }
      %parallel_loop3A_30 = arith.constant 0 : i32
      %parallel_loop3A_31 = arith.constant 512 : i32
      %parallel_loop3A_32 = arith.constant 1 : i32
      scf.for %parallel_loop3A_52 = %parallel_loop3A_30 to %parallel_loop3A_31 step %parallel_loop3A_32  : i32 {
        %parallel_loop3A_53 = arith.constant 16 : i32
        %parallel_loop3A_54 = arith.muli %parallel_loop3A_52, %parallel_loop3A_53 : i32
        %parallel_loop3A_55 = arith.constant 5 : i32
        %parallel_loop3A_56 = arith.shrsi %parallel_loop3A_52, %parallel_loop3A_55 : i32
        %parallel_loop3A_57 = arith.constant 31 : i32
        %parallel_loop3A_58 = arith.andi %parallel_loop3A_52, %parallel_loop3A_57 : i32
        %parallel_loop3A_59 = arith.constant 16 : i32
        %parallel_loop3A_60 = arith.muli %parallel_loop3A_58, %parallel_loop3A_59 : i32
        %parallel_loop3A_61 = arith.index_cast %parallel_loop3A_54 : i32 to index
        %parallel_loop3A_62 = tpu.vector_load %arg9[%parallel_loop3A_61] {strides = array<i32>} : memref<8192xi32, #tpu.memory_space<vmem>>, vector<16xi32>,
        %parallel_loop3A_63 = vector.shape_cast %parallel_loop3A_62 : vector<16xi32> to vector<16xi32>
        %parallel_loop3A_64 = arith.index_cast %parallel_loop3A_54 : i32 to index
        %parallel_loop3A_65 = tpu.vector_load %arg10[%parallel_loop3A_64] {strides = array<i32>} : memref<8192xf32, #tpu.memory_space<vmem>>, vector<16xf32>,
        %parallel_loop3A_66 = vector.shape_cast %parallel_loop3A_65 : vector<16xf32> to vector<16xf32>
        %parallel_loop3A_67 = vector.broadcast %mul3A_27 : i32 to vector<16xi32>
        %parallel_loop3A_68 = arith.subi %parallel_loop3A_67, %parallel_loop3A_63 : vector<16xi32>
        %parallel_loop3A_69 = arith.constant 0 : i32
        %parallel_loop3A_70 = vector.broadcast %parallel_loop3A_69 : i32 to vector<16xi32>
        %parallel_loop3A_71 = arith.addi %parallel_loop3A_68, %parallel_loop3A_70 : vector<16xi32>
        %parallel_loop3A_72 = arith.constant 16 : i32
        %parallel_loop3A_73 = vector.broadcast %parallel_loop3A_72 : i32 to vector<16xi32>
        %parallel_loop3A_74 = arith.cmpi ule, %parallel_loop3A_71, %parallel_loop3A_73 : vector<16xi32>
        %parallel_loop3A_75 = arith.constant 0.000000e+00 : f32
        %parallel_loop3A_76 = vector.broadcast %parallel_loop3A_75 : f32 to vector<16xf32>
        %parallel_loop3A_77 = arith.select %parallel_loop3A_74, %parallel_loop3A_66, %parallel_loop3A_76 : vector<16xi1>, vector<16xf32>
        %parallel_loop3A_78 = arith.constant 0 : i32
        %parallel_loop3A_79 = arith.index_cast %parallel_loop3A_78 : i32 to index
        %parallel_loop3A_80 = arith.index_cast %parallel_loop3A_56 : i32 to index
        %parallel_loop3A_81 = arith.index_cast %parallel_loop3A_60 : i32 to index
        %parallel_loop3A_82 = tpu.vector_load %arg11[%parallel_loop3A_79, %parallel_loop3A_80, %parallel_loop3A_81] {strides = array<i32>} : memref<4x16x512xf32, #tpu.memory_space<vmem>>, vector<1x1x16xf32>,
        %parallel_loop3A_83 = vector.shape_cast %parallel_loop3A_82 : vector<1x1x16xf32> to vector<16xf32>
        %parallel_loop3A_84 = vector.shape_cast %parallel_loop3A_77 : vector<16xf32> to vector<1x1x16xf32>
        tpu.vector_store %arg11[%parallel_loop3A_79, %parallel_loop3A_80, %parallel_loop3A_81], %parallel_loop3A_84 {strides = array<i32>} : memref<4x16x512xf32, #tpu.memory_space<vmem>>, vector<1x1x16xf32>,
        %parallel_loop3A_85 = arith.constant 1 : i32
        %parallel_loop3A_86 = vector.broadcast %parallel_loop3A_85 : i32 to vector<16xi32>
        %parallel_loop3A_87 = arith.addi %parallel_loop3A_68, %parallel_loop3A_86 : vector<16xi32>
        %parallel_loop3A_88 = arith.constant 16 : i32
        %parallel_loop3A_89 = vector.broadcast %parallel_loop3A_88 : i32 to vector<16xi32>
        %parallel_loop3A_90 = arith.cmpi ule, %parallel_loop3A_87, %parallel_loop3A_89 : vector<16xi32>
        %parallel_loop3A_91 = arith.constant 0.000000e+00 : f32
        %parallel_loop3A_92 = vector.broadcast %parallel_loop3A_91 : f32 to vector<16xf32>
        %parallel_loop3A_93 = arith.select %parallel_loop3A_90, %parallel_loop3A_66, %parallel_loop3A_92 : vector<16xi1>, vector<16xf32>
        %parallel_loop3A_94 = arith.constant 1 : i32
        %parallel_loop3A_95 = arith.index_cast %parallel_loop3A_94 : i32 to index
        %parallel_loop3A_96 = arith.index_cast %parallel_loop3A_56 : i32 to index
        %parallel_loop3A_97 = arith.index_cast %parallel_loop3A_60 : i32 to index
        %parallel_loop3A_98 = tpu.vector_load %arg11[%parallel_loop3A_95, %parallel_loop3A_96, %parallel_loop3A_97] {strides = array<i32>} : memref<4x16x512xf32, #tpu.memory_space<vmem>>, vector<1x1x16xf32>,
        %parallel_loop3A_99 = vector.shape_cast %parallel_loop3A_98 : vector<1x1x16xf32> to vector<16xf32>
        %parallel_loop3A_100 = vector.shape_cast %parallel_loop3A_93 : vector<16xf32> to vector<1x1x16xf32>
        tpu.vector_store %arg11[%parallel_loop3A_95, %parallel_loop3A_96, %parallel_loop3A_97], %parallel_loop3A_100 {strides = array<i32>} : memref<4x16x512xf32, #tpu.memory_space<vmem>>, vector<1x1x16xf32>,
        %parallel_loop3A_101 = arith.constant 2 : i32
        %parallel_loop3A_102 = vector.broadcast %parallel_loop3A_101 : i32 to vector<16xi32>
        %parallel_loop3A_103 = arith.addi %parallel_loop3A_68, %parallel_loop3A_102 : vector<16xi32>
        %parallel_loop3A_104 = arith.constant 16 : i32
        %parallel_loop3A_105 = vector.broadcast %parallel_loop3A_104 : i32 to vector<16xi32>
        %parallel_loop3A_106 = arith.cmpi ule, %parallel_loop3A_103, %parallel_loop3A_105 : vector<16xi32>
        %parallel_loop3A_107 = arith.constant 0.000000e+00 : f32
        %parallel_loop3A_108 = vector.broadcast %parallel_loop3A_107 : f32 to vector<16xf32>
        %parallel_loop3A_109 = arith.select %parallel_loop3A_106, %parallel_loop3A_66, %parallel_loop3A_108 : vector<16xi1>, vector<16xf32>
        %parallel_loop3A_110 = arith.constant 2 : i32
        %parallel_loop3A_111 = arith.index_cast %parallel_loop3A_110 : i32 to index
        %parallel_loop3A_112 = arith.index_cast %parallel_loop3A_56 : i32 to index
        %parallel_loop3A_113 = arith.index_cast %parallel_loop3A_60 : i32 to index
        %parallel_loop3A_114 = tpu.vector_load %arg11[%parallel_loop3A_111, %parallel_loop3A_112, %parallel_loop3A_113] {strides = array<i32>} : memref<4x16x512xf32, #tpu.memory_space<vmem>>, vector<1x1x16xf32>,
        %parallel_loop3A_115 = vector.shape_cast %parallel_loop3A_114 : vector<1x1x16xf32> to vector<16xf32>
        %parallel_loop3A_116 = vector.shape_cast %parallel_loop3A_109 : vector<16xf32> to vector<1x1x16xf32>
        tpu.vector_store %arg11[%parallel_loop3A_111, %parallel_loop3A_112, %parallel_loop3A_113], %parallel_loop3A_116 {strides = array<i32>} : memref<4x16x512xf32, #tpu.memory_space<vmem>>, vector<1x1x16xf32>,
        %parallel_loop3A_117 = arith.constant 3 : i32
        %parallel_loop3A_118 = vector.broadcast %parallel_loop3A_117 : i32 to vector<16xi32>
        %parallel_loop3A_119 = arith.addi %parallel_loop3A_68, %parallel_loop3A_118 : vector<16xi32>
        %parallel_loop3A_120 = arith.constant 16 : i32
        %parallel_loop3A_121 = vector.broadcast %parallel_loop3A_120 : i32 to vector<16xi32>
        %parallel_loop3A_122 = arith.cmpi ule, %parallel_loop3A_119, %parallel_loop3A_121 : vector<16xi32>
        %parallel_loop3A_123 = arith.constant 0.000000e+00 : f32
        %parallel_loop3A_124 = vector.broadcast %parallel_loop3A_123 : f32 to vector<16xf32>
        %parallel_loop3A_125 = arith.select %parallel_loop3A_122, %parallel_loop3A_66, %parallel_loop3A_124 : vector<16xi1>, vector<16xf32>
        %parallel_loop3A_126 = arith.constant 3 : i32
        %parallel_loop3A_127 = arith.index_cast %parallel_loop3A_126 : i32 to index
        %parallel_loop3A_128 = arith.index_cast %parallel_loop3A_56 : i32 to index
        %parallel_loop3A_129 = arith.index_cast %parallel_loop3A_60 : i32 to index
        %parallel_loop3A_130 = tpu.vector_load %arg11[%parallel_loop3A_127, %parallel_loop3A_128, %parallel_loop3A_129] {strides = array<i32>} : memref<4x16x512xf32, #tpu.memory_space<vmem>>, vector<1x1x16xf32>,
        %parallel_loop3A_131 = vector.shape_cast %parallel_loop3A_130 : vector<1x1x16xf32> to vector<16xf32>
        %parallel_loop3A_132 = vector.shape_cast %parallel_loop3A_125 : vector<16xf32> to vector<1x1x16xf32>
        tpu.vector_store %arg11[%parallel_loop3A_127, %parallel_loop3A_128, %parallel_loop3A_129], %parallel_loop3A_132 {strides = array<i32>} : memref<4x16x512xf32, #tpu.memory_space<vmem>>, vector<1x1x16xf32>,
      } {sc.loop_unroll_factor = 4 : i64, sc.parallel_access}
      %dma_start3A = arith.constant 0 : i32
      %dma_start3A_33 = tpu.memref_slice %arg5[%mul3A_27, %mul3A_8, %dma_start3A] : memref<256x512x512xf32, #tpu.memory_space<hbm>> -> memref<4x16x512xf32, #tpu.memory_space<hbm>>
      %dma_start3A_34 = arith.constant 0 : i32
      %dma_start3A_35 = tpu.memref_slice %arg5[%mul3A_27, %mul3A_8, %dma_start3A_34] : memref<256x512x512xf32, #tpu.memory_space<hbm>> -> memref<4x16x512xf32, #tpu.memory_space<hbm>>
      tpu.enqueue_dma source(%arg11 : memref<4x16x512xf32, #tpu.memory_space<vmem>>) target(%dma_start3A_35 : memref<4x16x512xf32, #tpu.memory_space<hbm>>) target_semaphore(%arg13 : memref<!tpu.dma_semaphore, #tpu.memory_space<semaphore_mem>>)
      %gt3A_36 = arith.constant 0 : i32
      %gt3A_37 = arith.cmpi sgt, %scan3A_25, %gt3A_36 : i32
      %convert_element_type3A_38 = arith.extui %gt3A_37 : i1 to i32
      %cond3A_39 = arith.constant 0 : i32
      %cond3A_40 = arith.cmpi ne, %convert_element_type3A_38, %cond3A_39 : i32
      scf.if %cond3A_40 {
        %dma_wait3A_52 = arith.constant 0 : i32
        %dma_wait3A_53 = arith.constant 0 : i32
        %dma_wait3A_54 = tpu.memref_slice %arg5[%dma_wait3A_52, %mul3A_8, %dma_wait3A_53] : memref<256x512x512xf32, #tpu.memory_space<hbm>> -> memref<4x16x512xf32, #tpu.memory_space<hbm>>
        %dma_wait3A_55 = arith.constant 0 : i32
        %dma_wait3A_56 = arith.constant 0 : i32
        %dma_wait3A_57 = tpu.memref_slice %arg5[%dma_wait3A_55, %mul3A_8, %dma_wait3A_56] : memref<256x512x512xf32, #tpu.memory_space<hbm>> -> memref<4x16x512xf32, #tpu.memory_space<hbm>>
        tpu.wait_dma2 semaphore(%arg14 : memref<!tpu.dma_semaphore, #tpu.memory_space<semaphore_mem>>) src(%arg12 : memref<4x16x512xf32, #tpu.memory_space<vmem>>) dst(%dma_wait3A_57 : memref<4x16x512xf32, #tpu.memory_space<hbm>>)
      } else {
      }
      %add3A_41 = arith.constant 4 : i32
      %add3A_42 = arith.addi %mul3A_27, %add3A_41 : i32
      %parallel_loop3A_43 = arith.constant 0 : i32
      %parallel_loop3A_44 = arith.constant 512 : i32
      %parallel_loop3A_45 = arith.constant 1 : i32
      scf.for %parallel_loop3A_52 = %parallel_loop3A_43 to %parallel_loop3A_44 step %parallel_loop3A_45  : i32 {
        %parallel_loop3A_53 = arith.constant 16 : i32
        %parallel_loop3A_54 = arith.muli %parallel_loop3A_52, %parallel_loop3A_53 : i32
        %parallel_loop3A_55 = arith.constant 5 : i32
        %parallel_loop3A_56 = arith.shrsi %parallel_loop3A_52, %parallel_loop3A_55 : i32
        %parallel_loop3A_57 = arith.constant 31 : i32
        %parallel_loop3A_58 = arith.andi %parallel_loop3A_52, %parallel_loop3A_57 : i32
        %parallel_loop3A_59 = arith.constant 16 : i32
        %parallel_loop3A_60 = arith.muli %parallel_loop3A_58, %parallel_loop3A_59 : i32
        %parallel_loop3A_61 = arith.index_cast %parallel_loop3A_54 : i32 to index
        %parallel_loop3A_62 = tpu.vector_load %arg9[%parallel_loop3A_61] {strides = array<i32>} : memref<8192xi32, #tpu.memory_space<vmem>>, vector<16xi32>,
        %parallel_loop3A_63 = vector.shape_cast %parallel_loop3A_62 : vector<16xi32> to vector<16xi32>
        %parallel_loop3A_64 = arith.index_cast %parallel_loop3A_54 : i32 to index
        %parallel_loop3A_65 = tpu.vector_load %arg10[%parallel_loop3A_64] {strides = array<i32>} : memref<8192xf32, #tpu.memory_space<vmem>>, vector<16xf32>,
        %parallel_loop3A_66 = vector.shape_cast %parallel_loop3A_65 : vector<16xf32> to vector<16xf32>
        %parallel_loop3A_67 = vector.broadcast %add3A_42 : i32 to vector<16xi32>
        %parallel_loop3A_68 = arith.subi %parallel_loop3A_67, %parallel_loop3A_63 : vector<16xi32>
        %parallel_loop3A_69 = arith.constant 0 : i32
        %parallel_loop3A_70 = vector.broadcast %parallel_loop3A_69 : i32 to vector<16xi32>
        %parallel_loop3A_71 = arith.addi %parallel_loop3A_68, %parallel_loop3A_70 : vector<16xi32>
        %parallel_loop3A_72 = arith.constant 16 : i32
        %parallel_loop3A_73 = vector.broadcast %parallel_loop3A_72 : i32 to vector<16xi32>
        %parallel_loop3A_74 = arith.cmpi ule, %parallel_loop3A_71, %parallel_loop3A_73 : vector<16xi32>
        %parallel_loop3A_75 = arith.constant 0.000000e+00 : f32
        %parallel_loop3A_76 = vector.broadcast %parallel_loop3A_75 : f32 to vector<16xf32>
        %parallel_loop3A_77 = arith.select %parallel_loop3A_74, %parallel_loop3A_66, %parallel_loop3A_76 : vector<16xi1>, vector<16xf32>
        %parallel_loop3A_78 = arith.constant 0 : i32
        %parallel_loop3A_79 = arith.index_cast %parallel_loop3A_78 : i32 to index
        %parallel_loop3A_80 = arith.index_cast %parallel_loop3A_56 : i32 to index
        %parallel_loop3A_81 = arith.index_cast %parallel_loop3A_60 : i32 to index
        %parallel_loop3A_82 = tpu.vector_load %arg12[%parallel_loop3A_79, %parallel_loop3A_80, %parallel_loop3A_81] {strides = array<i32>} : memref<4x16x512xf32, #tpu.memory_space<vmem>>, vector<1x1x16xf32>,
        %parallel_loop3A_83 = vector.shape_cast %parallel_loop3A_82 : vector<1x1x16xf32> to vector<16xf32>
        %parallel_loop3A_84 = vector.shape_cast %parallel_loop3A_77 : vector<16xf32> to vector<1x1x16xf32>
        tpu.vector_store %arg12[%parallel_loop3A_79, %parallel_loop3A_80, %parallel_loop3A_81], %parallel_loop3A_84 {strides = array<i32>} : memref<4x16x512xf32, #tpu.memory_space<vmem>>, vector<1x1x16xf32>,
        %parallel_loop3A_85 = arith.constant 1 : i32
        %parallel_loop3A_86 = vector.broadcast %parallel_loop3A_85 : i32 to vector<16xi32>
        %parallel_loop3A_87 = arith.addi %parallel_loop3A_68, %parallel_loop3A_86 : vector<16xi32>
        %parallel_loop3A_88 = arith.constant 16 : i32
        %parallel_loop3A_89 = vector.broadcast %parallel_loop3A_88 : i32 to vector<16xi32>
        %parallel_loop3A_90 = arith.cmpi ule, %parallel_loop3A_87, %parallel_loop3A_89 : vector<16xi32>
        %parallel_loop3A_91 = arith.constant 0.000000e+00 : f32
        %parallel_loop3A_92 = vector.broadcast %parallel_loop3A_91 : f32 to vector<16xf32>
        %parallel_loop3A_93 = arith.select %parallel_loop3A_90, %parallel_loop3A_66, %parallel_loop3A_92 : vector<16xi1>, vector<16xf32>
        %parallel_loop3A_94 = arith.constant 1 : i32
        %parallel_loop3A_95 = arith.index_cast %parallel_loop3A_94 : i32 to index
        %parallel_loop3A_96 = arith.index_cast %parallel_loop3A_56 : i32 to index
        %parallel_loop3A_97 = arith.index_cast %parallel_loop3A_60 : i32 to index
        %parallel_loop3A_98 = tpu.vector_load %arg12[%parallel_loop3A_95, %parallel_loop3A_96, %parallel_loop3A_97] {strides = array<i32>} : memref<4x16x512xf32, #tpu.memory_space<vmem>>, vector<1x1x16xf32>,
        %parallel_loop3A_99 = vector.shape_cast %parallel_loop3A_98 : vector<1x1x16xf32> to vector<16xf32>
        %parallel_loop3A_100 = vector.shape_cast %parallel_loop3A_93 : vector<16xf32> to vector<1x1x16xf32>
        tpu.vector_store %arg12[%parallel_loop3A_95, %parallel_loop3A_96, %parallel_loop3A_97], %parallel_loop3A_100 {strides = array<i32>} : memref<4x16x512xf32, #tpu.memory_space<vmem>>, vector<1x1x16xf32>,
        %parallel_loop3A_101 = arith.constant 2 : i32
        %parallel_loop3A_102 = vector.broadcast %parallel_loop3A_101 : i32 to vector<16xi32>
        %parallel_loop3A_103 = arith.addi %parallel_loop3A_68, %parallel_loop3A_102 : vector<16xi32>
        %parallel_loop3A_104 = arith.constant 16 : i32
        %parallel_loop3A_105 = vector.broadcast %parallel_loop3A_104 : i32 to vector<16xi32>
        %parallel_loop3A_106 = arith.cmpi ule, %parallel_loop3A_103, %parallel_loop3A_105 : vector<16xi32>
        %parallel_loop3A_107 = arith.constant 0.000000e+00 : f32
        %parallel_loop3A_108 = vector.broadcast %parallel_loop3A_107 : f32 to vector<16xf32>
        %parallel_loop3A_109 = arith.select %parallel_loop3A_106, %parallel_loop3A_66, %parallel_loop3A_108 : vector<16xi1>, vector<16xf32>
        %parallel_loop3A_110 = arith.constant 2 : i32
        %parallel_loop3A_111 = arith.index_cast %parallel_loop3A_110 : i32 to index
        %parallel_loop3A_112 = arith.index_cast %parallel_loop3A_56 : i32 to index
        %parallel_loop3A_113 = arith.index_cast %parallel_loop3A_60 : i32 to index
        %parallel_loop3A_114 = tpu.vector_load %arg12[%parallel_loop3A_111, %parallel_loop3A_112, %parallel_loop3A_113] {strides = array<i32>} : memref<4x16x512xf32, #tpu.memory_space<vmem>>, vector<1x1x16xf32>,
        %parallel_loop3A_115 = vector.shape_cast %parallel_loop3A_114 : vector<1x1x16xf32> to vector<16xf32>
        %parallel_loop3A_116 = vector.shape_cast %parallel_loop3A_109 : vector<16xf32> to vector<1x1x16xf32>
        tpu.vector_store %arg12[%parallel_loop3A_111, %parallel_loop3A_112, %parallel_loop3A_113], %parallel_loop3A_116 {strides = array<i32>} : memref<4x16x512xf32, #tpu.memory_space<vmem>>, vector<1x1x16xf32>,
        %parallel_loop3A_117 = arith.constant 3 : i32
        %parallel_loop3A_118 = vector.broadcast %parallel_loop3A_117 : i32 to vector<16xi32>
        %parallel_loop3A_119 = arith.addi %parallel_loop3A_68, %parallel_loop3A_118 : vector<16xi32>
        %parallel_loop3A_120 = arith.constant 16 : i32
        %parallel_loop3A_121 = vector.broadcast %parallel_loop3A_120 : i32 to vector<16xi32>
        %parallel_loop3A_122 = arith.cmpi ule, %parallel_loop3A_119, %parallel_loop3A_121 : vector<16xi32>
        %parallel_loop3A_123 = arith.constant 0.000000e+00 : f32
        %parallel_loop3A_124 = vector.broadcast %parallel_loop3A_123 : f32 to vector<16xf32>
        %parallel_loop3A_125 = arith.select %parallel_loop3A_122, %parallel_loop3A_66, %parallel_loop3A_124 : vector<16xi1>, vector<16xf32>
        %parallel_loop3A_126 = arith.constant 3 : i32
        %parallel_loop3A_127 = arith.index_cast %parallel_loop3A_126 : i32 to index
        %parallel_loop3A_128 = arith.index_cast %parallel_loop3A_56 : i32 to index
        %parallel_loop3A_129 = arith.index_cast %parallel_loop3A_60 : i32 to index
        %parallel_loop3A_130 = tpu.vector_load %arg12[%parallel_loop3A_127, %parallel_loop3A_128, %parallel_loop3A_129] {strides = array<i32>} : memref<4x16x512xf32, #tpu.memory_space<vmem>>, vector<1x1x16xf32>,
        %parallel_loop3A_131 = vector.shape_cast %parallel_loop3A_130 : vector<1x1x16xf32> to vector<16xf32>
        %parallel_loop3A_132 = vector.shape_cast %parallel_loop3A_125 : vector<16xf32> to vector<1x1x16xf32>
        tpu.vector_store %arg12[%parallel_loop3A_127, %parallel_loop3A_128, %parallel_loop3A_129], %parallel_loop3A_132 {strides = array<i32>} : memref<4x16x512xf32, #tpu.memory_space<vmem>>, vector<1x1x16xf32>,
      } {sc.loop_unroll_factor = 4 : i64, sc.parallel_access}
      %add3A_46 = arith.constant 4 : i32
      %add3A_47 = arith.addi %mul3A_27, %add3A_46 : i32
      %dma_start3A_48 = arith.constant 0 : i32
      %dma_start3A_49 = tpu.memref_slice %arg5[%add3A_47, %mul3A_8, %dma_start3A_48] : memref<256x512x512xf32, #tpu.memory_space<hbm>> -> memref<4x16x512xf32, #tpu.memory_space<hbm>>
      %dma_start3A_50 = arith.constant 0 : i32
      %dma_start3A_51 = tpu.memref_slice %arg5[%add3A_47, %mul3A_8, %dma_start3A_50] : memref<256x512x512xf32, #tpu.memory_space<hbm>> -> memref<4x16x512xf32, #tpu.memory_space<hbm>>
      tpu.enqueue_dma source(%arg12 : memref<4x16x512xf32, #tpu.memory_space<vmem>>) target(%dma_start3A_51 : memref<4x16x512xf32, #tpu.memory_space<hbm>>) target_semaphore(%arg14 : memref<!tpu.dma_semaphore, #tpu.memory_space<semaphore_mem>>)
    }
    %scan3A_13 = arith.constant 32 : i32
    %dma_wait3A = arith.constant 0 : i32
    %dma_wait3A_14 = arith.constant 0 : i32
    %dma_wait3A_15 = tpu.memref_slice %arg5[%dma_wait3A, %mul3A_8, %dma_wait3A_14] : memref<256x512x512xf32, #tpu.memory_space<hbm>> -> memref<4x16x512xf32, #tpu.memory_space<hbm>>
    %dma_wait3A_16 = arith.constant 0 : i32
    %dma_wait3A_17 = arith.constant 0 : i32
    %dma_wait3A_18 = tpu.memref_slice %arg5[%dma_wait3A_16, %mul3A_8, %dma_wait3A_17] : memref<256x512x512xf32, #tpu.memory_space<hbm>> -> memref<4x16x512xf32, #tpu.memory_space<hbm>>
    tpu.wait_dma2 semaphore(%arg13 : memref<!tpu.dma_semaphore, #tpu.memory_space<semaphore_mem>>) src(%arg11 : memref<4x16x512xf32, #tpu.memory_space<vmem>>) dst(%dma_wait3A_18 : memref<4x16x512xf32, #tpu.memory_space<hbm>>)
    %dma_wait3A_19 = arith.constant 0 : i32
    %dma_wait3A_20 = arith.constant 0 : i32
    %dma_wait3A_21 = tpu.memref_slice %arg5[%dma_wait3A_19, %mul3A_8, %dma_wait3A_20] : memref<256x512x512xf32, #tpu.memory_space<hbm>> -> memref<4x16x512xf32, #tpu.memory_space<hbm>>
    %dma_wait3A_22 = arith.constant 0 : i32
    %dma_wait3A_23 = arith.constant 0 : i32
    %dma_wait3A_24 = tpu.memref_slice %arg5[%dma_wait3A_22, %mul3A_8, %dma_wait3A_23] : memref<256x512x512xf32, #tpu.memory_space<hbm>> -> memref<4x16x512xf32, #tpu.memory_space<hbm>>
    tpu.wait_dma2 semaphore(%arg14 : memref<!tpu.dma_semaphore, #tpu.memory_space<semaphore_mem>>) src(%arg12 : memref<4x16x512xf32, #tpu.memory_space<vmem>>) dst(%dma_wait3A_24 : memref<4x16x512xf32, #tpu.memory_space<hbm>>)
    return
  }
}

</mosaic_0001>

<sc_bundles>
// kernel: kernel.3.cloned.1.call-start
scs
__scs_entry_jumppad:
0x0: {  	(pc) =	sbr.rel $0x88, $3  }
0x1: {  	(tag) =	ssettag $0x0;
	lr =	simm.s32 $0x1  }
0x2: {  	[smem:$0x3F9E] =	sst lr;
	_ =	strace $0xD0000000  }
0x3: {  	_ = 	snop  }
0x4: {  	_ = 	snop  }
0x5: {  	_ = 	snop  }
0x6: {  	_ = 	snop  }
0x7: {  	_ = 	snop  }
__scs_overlays_trampoline_lowered:
0x8: {  	[smem:$0x3FAD] =	sst s0  }
0x9: {  	[smem:$0x3FAE] =	sst s1  }
0xa: {  	[smem:$0x3FAF] =	sst s2  }
0xb: {  	[smem:$0x3FB0] =	sst s3  }
0xc: {  	[smem:$0x3FB1] =	sst s4  }
0xd: {  	[smem:$0x3FB2] =	sst s5  }
0xe: {  	[smem:$0x3FB3] =	sst s6  }
0xf: {  	[smem:$0x3FB4] =	sst s7  }
0x10: {  	[smem:$0x3FB5] =	sst s8  }
0x11: {  	[smem:$0x3FB6] =	sst s9;
	s0 =	simm.s32 @!p0 $0x0  }
0x12: {  	s1 =	sld [smem:$0x3F9C];
	s0 =	simm.s32 @p0 $0x1  }
0x13: {  	[smem:$0x3FB7] =	sst s0;
	s0 =	simm.s32 @!p1 $0x0  }
0x14: {  	s2 =	sld [smem:$0x3F9B];
	s0 =	simm.s32 @p1 $0x1  }
0x15: {  	[smem:$0x3FB8] =	sst s0;
	s0 =	simm.s32 @!p2 $0x0  }
0x16: {  	s3 =	sld [smem:$0x3FDB];
	s0 =	simm.s32 @p2 $0x1  }
0x17: {  	s4 =	simm.s32 $0x1BF5;
	[smem:$0x3FBA] =	sst s0  }
0x18: {  	s0 =	sld [smem:$0x3F9D];
	_ =	swait.ge [sflag:s4], $0x0  }
0x19: {  	s7 =	sld [smem:$0x3F9E]  }
0x1a: {  	s8 =	sadd.s32 $0xFFFFE003, lr  }
0x1b: {  	s9 =	sadd.s32 $0xFFFFFEF7, lr;
	s5 =	simm.s32 $0xFFFFFFFF;
	p2 =	slt.u32 s8, $0xFFFFF086  }
0x1c: {  	p1 =	slt.u32 s9, $0xF7A;
	s5 =	simm.s32 @!p2 $0x0  }
0x1d: {  	s5 =	simm.s32 @p1 $0x1;
	p0 =	seq.s32 s7, s2  }
0x1e: {  	s7 =	smul.u32 @!p0 $0xF7A, s2;
	p2 =	seq.s32 @!p0 s5, $0x0  }
0x1f: {  	s9 =	smul.u32 $0xF7A, s1;
	s8 =	simm.s32 @!p0 $0x1BF5;
	p2 =	por !p2, p0  }
0x20: {  	[sflag:s8] =	ssyncset.s32 @!p0 $0xFFFFF086;
	s6 =	sadd.s32 @!p0 s3, s7;
	s7 =	simm.s32 @!p0 $0x108  }
0x21: {  	s3 =	sadd.s32 s3, s9;
	s6 =	sadd.s32 @!p0 $0x88, s6;
	s7 =	simm.s32 @p2 $0x1082  }
0x22: {  	[simem:s7], [sflag:s8] =	dma.local @!p0 [hbm:s6], $0xF7A  }
0x23: {  	s9 =	sor.u32 $0xD0000000, s2;
	s6 =	simm.s32 $0x108;
	_ =	swait.ge @!p0 [sflag:s8], $0x0  }
0x24: {  	s3 =	sadd.s32 $0x88, s3;
	s6 =	simm.s32 @!p1 $0x1082;
	[sflag:s4] =	ssyncset.s32 $0xFFFFF086  }
0x25: {  	[simem:s6], [sflag:s4] =	dma.local [hbm:s3], $0xF7A  }
0x26: {  	[smem:$0x3F9E] =	sst s1;
	(tag) =	ssettag s2;
	_ =	strace s9  }
0x27: {  	s1 =	sld [smem:$0x3FAE]  }
0x28: {  	s2 =	sld [smem:$0x3FAF]  }
0x29: {  	s4 =	sld [smem:$0x3FB1]  }
0x2a: {  	p0 =	seq.s32 s5, $0x0;
	s5 =	sld [smem:$0x3FB2]  }
0x2b: {  	s6 =	sld [smem:$0x3FB3]  }
0x2c: {  	s7 =	sld [smem:$0x3FB4]  }
0x2d: {  	s3 =	simm.s32 $0x108;
	s8 =	sld [smem:$0x3FB5]  }
0x2e: {  	s3 =	simm.s32 @!p0 $0x1082;
	s9 =	sld [smem:$0x3FB6]  }
0x2f: {  	lr =	sadd.s32 s0, s3;
	s0 =	sld [smem:$0x3FAD]  }
0x30: {  	s3 =	sld [smem:$0x3FB0]  }
0x31: {  	[smem:$0x3FB9] =	sst s10  }
0x32: {  	s10 =	sld [smem:$0x3FB7];
	_ =	sdelay $0x3  }
0x33: {  	p0 =	seq.s32 s10, $0x1;
	s10 =	sld [smem:$0x3FB9];
	_ =	sdelay $0x3  }
0x34: {  	[smem:$0x3FB9] =	sst s10  }
0x35: {  	s10 =	sld [smem:$0x3FB8];
	_ =	sdelay $0x3  }
0x36: {  	p1 =	seq.s32 s10, $0x1;
	s10 =	sld [smem:$0x3FB9];
	_ =	sdelay $0x3  }
0x37: {  	[smem:$0x3FB9] =	sst s10  }
0x38: {  	s10 =	sld [smem:$0x3FBA]  }
0x39: {  	_ = 	snop;
	(pc) =	sbr.ind lr, $3  }
0x3a: {  	_ = 	snop  }
0x3b: {  	_ = 	snop  }
0x3c: {  	p2 =	seq.s32 s10, $0x1;
	s10 =	sld [smem:$0x3FB9]  }
0x3d: {  	_ =	shalt  }
0x3e: {  	_ =	shalt  }
0x3f: {  	_ =	shalt  }
0x40: {  	_ =	shalt  }
0x41: {  	_ =	shalt  }
0x42: {  	_ =	shalt  }
0x43: {  	_ =	shalt  }
0x44: {  	_ =	shalt  }
0x45: {  	_ =	shalt  }
0x46: {  	_ =	shalt  }
0x47: {  	_ =	shalt  }
0x48: {  	_ =	shalt  }
0x49: {  	_ =	shalt  }
0x4a: {  	_ =	shalt  }
0x4b: {  	_ =	shalt  }
0x4c: {  	_ =	shalt  }
0x4d: {  	_ =	shalt  }
0x4e: {  	_ =	shalt  }
0x4f: {  	_ =	shalt  }
0x50: {  	_ =	shalt  }
0x51: {  	_ =	shalt  }
0x52: {  	_ =	shalt  }
0x53: {  	_ =	shalt  }
0x54: {  	_ =	shalt  }
0x55: {  	_ =	shalt  }
0x56: {  	_ =	shalt  }
0x57: {  	_ =	shalt  }
0x58: {  	_ =	shalt  }
0x59: {  	_ =	shalt  }
0x5a: {  	_ =	shalt  }
0x5b: {  	_ =	shalt  }
0x5c: {  	_ =	shalt  }
0x5d: {  	_ =	shalt  }
0x5e: {  	_ =	shalt  }
0x5f: {  	_ =	shalt  }
0x60: {  	_ =	shalt  }
0x61: {  	_ =	shalt  }
0x62: {  	_ =	shalt  }
0x63: {  	_ =	shalt  }
0x64: {  	_ =	shalt  }
0x65: {  	_ =	shalt  }
0x66: {  	_ =	shalt  }
0x67: {  	_ =	shalt  }
0x68: {  	_ =	shalt  }
0x69: {  	_ =	shalt  }
0x6a: {  	_ =	shalt  }
0x6b: {  	_ =	shalt  }
0x6c: {  	_ =	shalt  }
0x6d: {  	_ =	shalt  }
0x6e: {  	_ =	shalt  }
0x6f: {  	_ =	shalt  }
0x70: {  	_ =	shalt  }
0x71: {  	_ =	shalt  }
0x72: {  	_ =	shalt  }
0x73: {  	_ =	shalt  }
0x74: {  	_ =	shalt  }
0x75: {  	_ =	shalt  }
0x76: {  	_ =	shalt  }
0x77: {  	_ =	shalt  }
0x78: {  	_ =	shalt  }
0x79: {  	_ =	shalt  }
0x7a: {  	_ =	shalt  }
0x7b: {  	_ =	shalt  }
0x7c: {  	_ =	shalt  }
0x7d: {  	_ =	shalt  }
0x7e: {  	_ =	shalt  }
0x7f: {  	_ =	shalt  }
0x80: {  	_ =	shalt  }
0x81: {  	_ =	shalt  }
0x82: {  	_ =	shalt  }
0x83: {  	_ =	shalt  }
0x84: {  	_ =	shalt  }
0x85: {  	_ =	shalt  }
0x86: {  	_ =	shalt  }
0x87: {  	_ =	shalt  }
.Lfunc_end0:
.L_simem_size_0:
called_computation_lowered:
.L_overlay_start_0:
0x88: {  	s2 =	sld [smem:$0x3FD9]  }
0x89: {  	s3 =	sld [smem:$0x3FFE];
	_ =	sdelay $0x1  }
0x8a: {  	s1 =	srdreg.scid  }
0x8b: {  	s0 =	sand.u32 $0x1, s1  }
0x8c: {  	s17 =	sshll.u32 s0, $0xA;
	s2 =	sadd.s32 s3, s2  }
0x8d: {  	s2 =	sadd.s32 s2, s17  }
0x8e: {  	[smem:$0x3FC5] =	sst s2  }
0x8f: {  	_ = 	snop  }
0x90: {  	s2 =	sld [smem:$0x3FD0];
	(tm) =	ssettm $0x1  }
0x91: {  	s18 =	sld [smem:$0x3FFB];
	_ =	sdelay $0x3  }
0x92: {  	_ =	strace s18  }
0x93: {  	s3 =	sld [smem:$0x3FFC];
	_ =	sdelay $0x3  }
0x94: {  	_ =	strace s3  }
0x95: {  	s3 =	sld [smem:$0x3FFD];
	_ =	sdelay $0x3  }
0x96: {  	_ =	strace s3  }
0x97: {  	_ =	strace $0x8FFFFFFF  }
0x98: {  	s19 =	sld [smem:$0x3FDB];
	_ =	sdelay $0x1  }
0x99: {  	s4 =	simm.s32 $_scs_section_size  }
0x9a: {  	s5 =	simm.s32 $_size__tile_overlayer_lowered;
	s6 =	simm.s32 $_tile_overlayer_lowered  }
0x9b: {  	s22 =	simm.s32 $0x1BFF;
	s21 =	sshll.u32 s6, $0x1;
	s3 =	sadd.s32 s4, s19  }
0x9c: {  	s7 =	simm.s32 $0x0;
	s20 =	sshll.u32 s5, $0x1;
	s5 =	sadd.s32 s21, s3  }
0x9d: {  	[timem:s7], [sflag:s22] =	dma.local [hbm:s5], s20  }
0x9e: {  	_ =	swait.ge [sflag:s22], s20  }
0x9f: {  	s4 =	ssub.s32 $0x0, s20;
	[sflag:s22] =	ssyncset.done $0x0  }
0xa0: {  	[sflag:s22] =	ssyncadd.s32 s4;
	_ =	sdelay $0x1  }
0xa1: {  	s23 =	simm.s32 $0x1B8B  }
0xa2: {  	_ =	swait.ge [sflag:s23], $0x1  }
0xa3: {  	[sflag:s23] =	ssyncset.done $0x0  }
0xa4: {  	s25 =	simm.s32 $0x1B8E;
	s24 =	sld [smem:$0x3FFE];
	[sflag:s23] =	ssyncadd.s32 $0xFFFFFFFF  }
0xa5: {  	s26 =	simm.s32 $execute0_lowered;
	[smem:$0x3FD2] =	sst s25  }
0xa6: {  	s5 =	sshll.u32 s26, $0x1;
	_ =	strace $0x80000046;
	[dreg:$0x1] =	wrdreg $0xFFFFFFFF  }
0xa7: {  	s28 =	simm.s32 $_size_execute0_lowered;
	s3 =	sadd.s32 s3, s5;
	[dreg:$0x0] =	wrdreg $0x0  }
0xa8: {  	s5 =	sshll.u32 s28, $0x1;
	[dreg:$0x2] =	wrdreg s3  }
0xa9: {  	[dreg:$0x3] =	wrdreg s5  }
0xaa: {  	[dreg:$0x4] =	wrdreg $0xC0  }
0xab: {  	_ =	task [dreg:s7], $0x5FFFF  }
0xac: {  	[dreg:$0x1] =	wrdreg $0xFFFFFFFF  }
0xad: {  	[dreg:$0x0] =	wrdreg $0x60  }
0xae: {  	[dreg:$0x2] =	wrdreg s24  }
0xaf: {  	[dreg:$0x3] =	wrdreg s2  }
0xb0: {  	[dreg:$0x4] =	wrdreg $0x9  }
0xb1: {  	_ =	task.clear_ibuf [dreg:s7], $0x5FFFF;
	_ =	strace $0x90000046  }
0xb2: {  	s29 =	simm.s32 $0x9;
	_ =	strace $0x80000048  }
0xb3: {  	_ =	swait.ge [sflag:s29], $0x1  }
0xb4: {  	[sflag:s29] =	ssyncadd.s32 $0xFFFFFFFF  }
0xb5: {  	_ =	strace $0x90000048  }
0xb6: {  	_ =	sfence  }
0xb7: {  	s30 =	sld [smem:$0x0];
	_ =	sdelay $0x2  }
0xb8: {  	s31 =	sshll.u32 s1, $0xD;
	s1 =	sshrl.u32 s1, $0x2  }
0xb9: {  	s3 =	sand.u32 $0x4000, s31;
	s1 =	sadd.s32 s1, s30  }
0xba: {  	s0 =	sor.u32 s3, s0;
	s1 =	sshll.u32 s1, $0x11  }
0xbb: {  	s0 =	sor.u32 s1, s0  }
0xbc: {  	s0 =	sadd.s32 $0x8F2B, s0  }
0xbd: {  	[sflag:s0] =	ssyncadd.remote.s32 $0x1  }
0xbe: {  	_ =	sfence.sel $0xFFFF  }
0xbf: {  	[dreg:$0x0] =	wrdreg $0xFFFFFFFF;
	(pc) =	sbr.abs _section_cstart, $3  }
0xc0: {  	[dreg:$0x1] =	wrdreg $0xFFFFFFFF  }
0xc1: {  	_ =	task.clear_ibuf [dreg:s7], $0x2FFFF;
	_ =	strace $0x9FFFFFFF  }
0xc2: {  	(tm) =	ssettm $0x7FFFFFFF  }
0xc3: {  	_ =	shalt  }
tec
execute0_lowered:
.L_overlay_start_1:
0x0: {  	(tag) =	ssettag $0x1  }
0x1: {  	s0 =	rddreg [dreg:$0x0]  }
0x2: {  	s2 =	rddreg [dreg:$0x1];
	s1 =	srdreg.scid  }
0x3: {  	s3 =	stileid.u32;
	s5 =	simm.s32 $0x0;
	s10 =	simm.s32 $0x3  }
0x4: {  	s12 =	simm.s32 $0x2000;
	s1 =	sand.u32 $0x1, s1;
	s4 =	sshll.u32 s3, $0x1  }
0x5: {  	s13 =	simm.s32 $0x40000;
	[smem:$0x7FF] =	sst s5;
	s4 =	sor.u32 s1, s4  }
0x6: {  	s14 =	simm.s32 $0x8080;
	_ =	strace $0x80000047;
	s28 =	sshll.u32 s4, $0xA  }
0x7: {  	s1 =	ssub.s32 $0x2, s1;
	s5 =	sadd.s32 s28, s0;
	s0 =	sadd.s32 $0x10400, s0  }
0x8: {  	s29 =	sshrl.u32 s1, $0x1;
	[dreg:$0x3] =	wrdreg s0;
	s30 =	sadd.s32 $0x400, s5  }
0x9: {  	s0 =	ssub.s32 s1, s29;
	s31 =	sadd.s32 $0x8400, s5;
	[dreg:$0x4] =	wrdreg s30  }
0xa: {  	s15 =	simm.s32 $0x10080;
	[dreg:$0x5] =	wrdreg s31;
	s0 =	smax.u32 s0, $0x1  }
0xb: {  	s18 =	simm.s32 $0x0;
	s7 =	sshll.u32 s4, $0xD;
	[dreg:$0x6] =	wrdreg s0  }
.LBB2_1:
0xc: {  	s0 =	simm.s32 $0x0;
	s1 =	rddreg [dreg:$0x4];
	s3 =	simm.s32 $0x80  }
0xd: {  	[tilespmem:s3], [sflag:$0x3] =	stream.linear.gather [hbm4b:s1+s0], $0x2000, $0x38;
	[tilespmem:$0x18080] =	vst v63  }
0xe: {  	_ =	swait.ge [sflag:s10], $0x2000  }
0xf: {  	[sflag:s10] =	ssyncset.done $0x0  }
0x10: {  	s28 =	simm.s32 $0x2080;
	s26 =	rddreg [dreg:$0x5];
	[sflag:s10] =	ssyncadd.s32 $0xFFFFE000  }
0x11: {  	[tilespmem:s28], [sflag:$0x3] =	stream.linear.gather [hbm4b:s26+s0], $0x2000, $0x38;
	[tilespmem:$0x18080] =	vst v63  }
0x12: {  	_ =	swait.ge [sflag:s10], $0x2000  }
0x13: {  	[sflag:s10] =	ssyncset.done $0x0  }
0x14: {  	s29 =	rddreg [dreg:$0x3];
	[sflag:s10] =	ssyncadd.s32 $0xFFFFE000  }
0x15: {  	[tilespmem:s0], [sflag:$0x3] =	stream.linear.gather [hbm4b:s29+s0], $0x80, $0x38;
	[tilespmem:$0x18080] =	vst v63  }
0x16: {  	_ =	swait.ge [sflag:s10], $0x80  }
0x17: {  	[sflag:s10] =	ssyncset.done $0x0  }
0x18: {  	s30 =	simm.s32 $0xC0;
	[sflag:s10] =	ssyncadd.s32 $0xFFFFFF80  }
0x19: {  	v0 =	vld [tilespmem:s30+$0x30]  }
0x1a: {  	v1 =	vld [tilespmem:s30+$0x10]  }
0x1b: {  	v2 =	vld [tilespmem:s30+$0x20]  }
0x1c: {  	v4 =	vld [tilespmem:s30+$0xFFFFFFC0]  }
0x1d: {  	v5 =	vld [tilespmem:s30+$0xFFFFFFF0]  }
0x1e: {  	v6 =	vld [tilespmem:s30+$0xFFFFFFE0]  }
0x1f: {  	s31 =	simm.s32 $0x140;
	v7 =	vld [tilespmem:s30+$0x0]  }
0x20: {  	v9 =	vld [tilespmem:s31+$0x30]  }
0x21: {  	v0 =	vmul.f32 $2.550000000e+02, v0;
	v1 =	vmul.f32 $2.550000000e+02, v1  }
0x22: {  	v2 =	vmul.f32 $2.550000000e+02, v2;
	v4 =	vmul.f32 $2.550000000e+02, v4  }
0x23: {  	v5 =	vmul.f32 $2.550000000e+02, v5;
	v0 =	vtrunc.f32 v0  }
0x24: {  	v6 =	vmul.f32 $2.550000000e+02, v6;
	v3 =	vcvt.f32.s32 v0  }
0x25: {  	v7 =	vmul.f32 $2.550000000e+02, v7;
	v9 =	vmul.f32 $2.550000000e+02, v9  }
0x26: {  	v1 =	vtrunc.f32 v1;
	v2 =	vtrunc.f32 v2;
	vm0 =	vgt.s32 v3, $0x0  }
0x27: {  	v8 =	vld [tilespmem:s30+$0xFFFFFFD0];
	v4 =	vtrunc.f32 v4;
	v5 =	vtrunc.f32 v5;
	v3 =	vnsel vm0, $0x0, v3  }
0x28: {  	s20 =	simm.s32 $0x40C0;
	v10 =	vld [tilespmem:s31+$0x10];
	v6 =	vtrunc.f32 v6;
	v9 =	vtrunc.f32 v9;
	v3 =	vmin.u32 v3, $0xFF  }
0x29: {  	s19 =	simm.s32 $0x20C0;
	v0 =	vld [tilespmem:$0x0];
	v1 =	vcvt.f32.s32 v1;
	v2 =	vcvt.f32.s32 v2;
	[tilespmem:s20+$0x30] =	vst v3  }
0x2a: {  	v4 =	vcvt.f32.s32 v4;
	v5 =	vcvt.f32.s32 v5;
	v3 =	vld [tilespmem:s19+$0x30]  }
0x2b: {  	v12 =	vcvt.f32.s32 v6;
	v6 =	vtrunc.f32 v7  }
0x2c: {  	v15 =	vcvt.f32.s32 v6;
	v6 =	vcvt.f32.s32 v9;
	vm0 =	vgt.s32 v1, $0x0  }
0x2d: {  	v11 =	vld [tilespmem:s31+$0xFFFFFFF0];
	v7 =	vmul.f32 $2.550000000e+02, v10;
	v1 =	vnsel vm0, $0x0, v1;
	vm0 =	vgt.s32 v2, $0x0  }
0x2e: {  	v13 =	vld [tilespmem:s31+$0xFFFFFFC0];
	vm1 =	vgt.s32 v6, $0x0;
	v1 =	vmin.u32 v1, $0xFF;
	v2 =	vnsel vm0, $0x0, v2  }
0x2f: {  	vm0 =	vgt.s32 v4, $0x0;
	v14 =	vperm.xlane v0, v3;
	v3 =	vmul.f32 $2.550000000e+02, v8;
	v8 =	vld [tilespmem:s31+$0xFFFFFFE0]  }
0x30: {  	v10 =	vld [tilespmem:s31+$0x20];
	v2 =	vmin.u32 v2, $0xFF;
	v4 =	vnsel vm0, $0x0, v4;
	vm0 =	vgt.s32 v5, $0x0  }
0x31: {  	[tilespmem:s20+$0x10] =	vst v1;
	v5 =	vnsel vm0, $0x0, v5;
	v16 =	vmin.u32 v4, $0xFF;
	vm0 =	vgt.s32 v15, $0x0  }
0x32: {  	v1 =	vld [tilespmem:s19+$0x10];
	v9 =	vmin.u32 v5, $0xFF;
	v5 =	vmul.f32 $2.550000000e+02, v11;
	[tilespmem:s20+$0xFFFFFFC0] =	vst v16;
	v16 =	vnsel vm0, $0x0, v15  }
0x33: {  	v4 =	vld [tilespmem:s31+$0x0];
	[tilespmem:s20+$0x20] =	vst v2;
	v17 =	vtrunc.f32 v3;
	v3 =	vtrunc.f32 v7;
	v7 =	vnsel vm1, $0x0, v6  }
0x34: {  	s24 =	simm.s32 $0x60C0;
	[tilespmem:s20+$0xFFFFFFF0] =	vst v9;
	v6 =	vld [tilespmem:s19+$0x20];
	vm1 =	vgt.s32 v12, $0x0;
	v18 =	vcvt.f32.s32 v3;
	v2 =	vmul.f32 $2.550000000e+02, v8  }
0x35: {  	s21 =	simm.s32 $0x4140;
	[tilespmem:s24+$0x30] =	vst v14;
	v3 =	vld [tilespmem:s31+$0xFFFFFFD0];
	v9 =	vmin.u32 v7, $0xFF;
	v8 =	vmul.f32 $2.550000000e+02, v10;
	v10 =	vmul.f32 $2.550000000e+02, v13  }
0x36: {  	s22 =	simm.s32 $0x2140;
	v14 =	vmin.u32 v16, $0xFF;
	v7 =	vcvt.f32.s32 v17;
	[tilespmem:s21+$0x30] =	vst v9;
	v9 =	vld [tilespmem:s19+$0xFFFFFFF0];
	vm2 =	vgt.s32 v18, $0x0  }
0x37: {  	v11 =	vtrunc.f32 v8;
	v13 =	vtrunc.f32 v10;
	v10 =	vnsel vm2, $0x0, v18;
	v8 =	vld [tilespmem:s22+$0x30]  }
0x38: {  	s23 =	simm.s32 $0x60C0;
	s1 =	simm.s32 $0x1C0;
	s0 =	simm.s32 $0x8;
	v12 =	vnsel vm1, $0x0, v12;
	vm0 =	vgt.s32 v7, $0x0;
	v15 =	vmin.u32 v10, $0xFF;
	v10 =	vld [tilespmem:s19+$0xFFFFFFC0]  }
.LBB2_2:
0x39: {  	v16 =	vld [tilespmem:s1+$0x10];
	s0 =	sadd.s32 $0x8, s0;
	v13 =	vcvt.f32.s32 v13;
	[tilespmem:s21+$0x10] =	vst v15;
	v11 =	vcvt.f32.s32 v11;
	v12 =	vmin.u32 v12, $0xFF;
	s24 =	sadd.s32 $0x80, s24  }
0x3a: {  	v4 =	vmul.f32 $2.550000000e+02, v4;
	v7 =	vnsel vm0, $0x0, v7;
	v6 =	vperm.xlane v0, v6;
	v15 =	vld [tilespmem:s1+$0x30];
	p0 =	slt.u32 s0, $0x1F8;
	[tilespmem:s20+$0x0] =	vst v14  }
0x3b: {  	v7 =	vmin.u32 v7, $0xFF;
	vm0 =	vgt.s32 v11, $0x0;
	[tilespmem:s20+$0xFFFFFFE0] =	vst v12;
	v9 =	vperm.xlane v0, v9;
	v12 =	vld [tilespmem:s19+$0x0]  }
0x3c: {  	v5 =	vtrunc.f32 v5;
	v14 =	vld [tilespmem:s22+$0x10];
	v11 =	vnsel vm0, $0x0, v11;
	v8 =	vperm.xlane v0, v8;
	[tilespmem:s20+$0xFFFFFFD0] =	vst v7;
	s20 =	smov.u32 s21  }
0x3d: {  	vm0 =	vgt.s32 v13, $0x0;
	v7 =	vmin.u32 v11, $0xFF;
	v10 =	vperm.xlane v0, v10;
	v11 =	vld [tilespmem:s19+$0xFFFFFFE0];
	[tilespmem:s23+$0xFFFFFFF0] =	vst v9  }
0x3e: {  	v3 =	vmul.f32 $2.550000000e+02, v3;
	v5 =	vcvt.f32.s32 v5;
	v9 =	vld [tilespmem:s19+$0xFFFFFFD0];
	[tilespmem:s23+$0x20] =	vst v6;
	s19 =	smov.u32 s22  }
0x3f: {  	v2 =	vtrunc.f32 v2;
	v18 =	vperm.xlane v0, v1;
	v6 =	vnsel vm0, $0x0, v13;
	v17 =	vld [tilespmem:s1+$0xFFFFFFE0];
	[tilespmem:s24+$0x30] =	vst v8  }
0x40: {  	v13 =	vcvt.f32.s32 v2;
	vm0 =	vgt.s32 v5, $0x0;
	v2 =	vtrunc.f32 v4;
	v8 =	vld [tilespmem:s1+$0xFFFFFFF0];
	[tilespmem:s23+$0xFFFFFFC0] =	vst v10  }
0x41: {  	v5 =	vnsel vm0, $0x0, v5;
	v10 =	vmul.f32 $2.550000000e+02, v15;
	v12 =	vperm.xlane v0, v12;
	v4 =	vld [tilespmem:s1+$0x0];
	[tilespmem:s23+$0x10] =	vst v18;
	v1 =	vmovc v14  }
0x42: {  	v14 =	vmul.f32 $2.550000000e+02, v16;
	v16 =	vmin.u32 v5, $0xFF;
	v18 =	vcvt.f32.s32 v2;
	v15 =	vld [tilespmem:s1+$0x20]  }
0x43: {  	v20 =	vtrunc.f32 v3;
	v2 =	vtrunc.f32 v10;
	v10 =	vmin.u32 v6, $0xFF;
	v19 =	vld [tilespmem:s1+$0xFFFFFFC0];
	[tilespmem:s21+$0x20] =	vst v7  }
0x44: {  	v7 =	vcvt.f32.s32 v2;
	vm0 =	vgt.s32 v18, $0x0;
	v2 =	vperm.xlane v0, v9;
	v6 =	vld [tilespmem:s22+$0x20];
	[tilespmem:s23+$0x0] =	vst v12  }
0x45: {  	vm1 =	vgt.s32 v13, $0x0;
	v3 =	vld [tilespmem:s1+$0xFFFFFFD0];
	v5 =	vmul.f32 $2.550000000e+02, v8;
	v8 =	vtrunc.f32 v14;
	[tilespmem:s21+$0xFFFFFFF0] =	vst v16  }
0x46: {  	v9 =	vperm.xlane v0, v11;
	vm2 =	vgt.s32 v7, $0x0;
	v8 =	vcvt.f32.s32 v8;
	[tilespmem:s23+$0xFFFFFFD0] =	vst v2  }
.Ltmp0:
0x47: {  	v2 =	vmul.f32 $2.550000000e+02, v17;
	v7 =	vnsel vm2, $0x0, v7;
	v11 =	vmul.f32 $2.550000000e+02, v15;
	(pc) =	sbr.rel @p0 .LBB2_2-.Ltmp0, $4  }
0x48: {  	s21 =	sadd.s32 $0x80, s21;
	v12 =	vmin.u32 v7, $0xFF;
	v7 =	vcvt.f32.s32 v20;
	v14 =	vmul.f32 $2.550000000e+02, v19;
	[tilespmem:s23+$0xFFFFFFE0] =	vst v9;
	s23 =	smov.u32 s24  }
0x49: {  	s22 =	sadd.s32 $0x80, s22;
	vm2 =	vgt.s32 v8, $0x0;
	v11 =	vtrunc.f32 v11;
	[tilespmem:s21+$0x30] =	vst v12;
	v12 =	vnsel vm1, $0x0, v13;
	v9 =	vld [tilespmem:s19+$0xFFFFFFF0]  }
0x4a: {  	v16 =	vnsel vm0, $0x0, v18;
	v13 =	vtrunc.f32 v14;
	v14 =	vnsel vm2, $0x0, v8;
	v8 =	vld [tilespmem:s22+$0x30];
	[tilespmem:s20+$0xFFFFFFC0] =	vst v10  }
0x4b: {  	s1 =	sadd.s32 $0x80, s1;
	vm0 =	vgt.s32 v7, $0x0;
	v15 =	vmin.u32 v14, $0xFF;
	v10 =	vld [tilespmem:s19+$0xFFFFFFC0];
	v14 =	vmin.u32 v16, $0xFF  }
0x4c: {  	[tilespmem:s21+$0x10] =	vst v15;
	v13 =	vcvt.f32.s32 v13;
	v12 =	vmin.u32 v12, $0xFF;
	v11 =	vcvt.f32.s32 v11  }
0x4d: {  	v7 =	vnsel vm0, $0x0, v7;
	[tilespmem:s20+$0x0] =	vst v14;
	v4 =	vmul.f32 $2.550000000e+02, v4;
	v6 =	vperm.xlane v0, v6  }
0x4e: {  	v5 =	vtrunc.f32 v5;
	v1 =	vperm.xlane v0, v1;
	v7 =	vmin.u32 v7, $0xFF;
	[tilespmem:s20+$0xFFFFFFE0] =	vst v12  }
0x4f: {  	v3 =	vmul.f32 $2.550000000e+02, v3;
	v2 =	vtrunc.f32 v2;
	[tilespmem:s20+$0xFFFFFFD0] =	vst v7  }
0x50: {  	v5 =	vcvt.f32.s32 v5;
	v9 =	vperm.xlane v0, v9;
	[tilespmem:s23+$0x20] =	vst v6  }
0x51: {  	v2 =	vcvt.f32.s32 v2;
	vm11 =	vgt.s32 v11, $0x0;
	[tilespmem:s23+$0x10] =	vst v1;
	v37 =	vperm.xlane v0, v8  }
0x52: {  	s0 =	sadd.s32 $0x80, s24;
	v36 =	vld [tilespmem:s19+$0x0];
	vm12 =	vgt.s32 v13, $0x0;
	v4 =	vtrunc.f32 v4;
	v38 =	vnsel vm11, $0x0, v11;
	[tilespmem:s23+$0xFFFFFFF0] =	vst v9  }
0x53: {  	v3 =	vtrunc.f32 v3;
	v45 =	vnsel vm12, $0x0, v13;
	v40 =	vmin.u32 v38, $0xFF;
	[tilespmem:s0+$0x30] =	vst v37  }
0x54: {  	vm1 =	vgt.s32 v5, $0x0;
	v39 =	vperm.xlane v0, v10;
	v47 =	vmin.u32 v45, $0xFF;
	[tilespmem:s21+$0x20] =	vst v40  }
0x55: {  	v53 =	vld [tilespmem:s22+$0x10];
	v4 =	vcvt.f32.s32 v4;
	vm15 =	vgt.s32 v2, $0x0;
	v5 =	vnsel vm1, $0x0, v5;
	[tilespmem:s21+$0xFFFFFFC0] =	vst v47  }
0x56: {  	v44 =	vld [tilespmem:s19+$0xFFFFFFE0];
	v46 =	vcvt.f32.s32 v3;
	v2 =	vnsel vm15, $0x0, v2;
	v43 =	vmin.u32 v5, $0xFF;
	[tilespmem:s23+$0xFFFFFFC0] =	vst v39  }
0x57: {  	v41 =	vld [tilespmem:s19+$0xFFFFFFD0];
	vm13 =	vgt.s32 v4, $0x0;
	v2 =	vmin.u32 v2, $0xFF;
	v42 =	vperm.xlane v0, v36;
	[tilespmem:s21+$0xFFFFFFF0] =	vst v43  }
0x58: {  	vm14 =	vgt.s32 v46, $0x0;
	v50 =	vld [tilespmem:s22+$0x20];
	v51 =	vnsel vm13, $0x0, v4;
	[tilespmem:s21+$0xFFFFFFE0] =	vst v2  }
0x59: {  	v52 =	vld [tilespmem:s22+$0xFFFFFFC0];
	v1 =	vnsel vm14, $0x0, v46;
	v3 =	vmin.u32 v51, $0xFF;
	[tilespmem:s23+$0x0] =	vst v42  }
0x5a: {  	v60 =	vperm.xlane v0, v53;
	v49 =	vld [tilespmem:s22+$0xFFFFFFF0];
	v1 =	vmin.u32 v1, $0xFF;
	[tilespmem:s21+$0x0] =	vst v3  }
0x5b: {  	v54 =	vperm.xlane v0, v44;
	v59 =	vld [tilespmem:s22+$0xFFFFFFE0];
	[tilespmem:s21+$0xFFFFFFD0] =	vst v1  }
0x5c: {  	v48 =	vperm.xlane v0, v41;
	[tilespmem:s0+$0x10] =	vst v60;
	v55 =	vld [tilespmem:s22+$0x0]  }
0x5d: {  	v57 =	vld [tilespmem:s22+$0xFFFFFFD0];
	[tilespmem:s23+$0xFFFFFFE0] =	vst v54;
	v58 =	vperm.xlane v0, v50  }
0x5e: {  	[tilespmem:s23+$0xFFFFFFD0] =	vst v48;
	v4 =	vperm.xlane v0, v52  }
0x5f: {  	v56 =	vperm.xlane v0, v49;
	[tilespmem:s0+$0x20] =	vst v58  }
0x60: {  	v63 =	vperm.xlane v0, v59;
	[tilespmem:s0+$0xFFFFFFC0] =	vst v4  }
0x61: {  	[tilespmem:s0+$0xFFFFFFF0] =	vst v56;
	v61 =	vperm.xlane v0, v55  }
0x62: {  	v62 =	vperm.xlane v0, v57;
	[tilespmem:s0+$0xFFFFFFE0] =	vst v63  }
0x63: {  	[tilespmem:s0+$0x0] =	vst v61  }
0x64: {  	s20 =	simm.s32 $0x0;
	s19 =	simm.s32 $0x0;
	[tilespmem:s0+$0xFFFFFFD0] =	vst v62  }
.LBB2_4:
0x65: {  	p0 =	seq.s32 s20, $0x0  }
0x66: {  	s0 =	simm.s32 @!p0 $0x1  }
0x67: {  	_ =	swait.ge @!p0 [sflag:s0], $0x8000  }
0x68: {  	[sflag:s0] =	ssyncset.done @!p0 $0x0  }
0x69: {  	s1 =	simm.s32 $0x40A0;
	[sflag:s0] =	ssyncadd.s32 @!p0 $0xFFFF8000  }
0x6a: {  	v1 =	vld [tilespmem:s1+$0xFFFFFFE0]  }
0x6b: {  	v3 =	vld [tilespmem:s1+$0x10]  }
0x6c: {  	v4 =	vld [tilespmem:s1+$0x0]  }
0x6d: {  	v5 =	vld [tilespmem:s1+$0xFFFFFFF0];
	_ =	sdelay $0x1  }
0x6e: {  	s21 =	sshll.u32 s20, $0x3  }
0x6f: {  	s4 =	simm.s32 $0x60A0;
	v2 =	vmov s21  }
0x70: {  	v0 =	vld [tilespmem:s4+$0xFFFFFFE0];
	v6 =	vsub.s32 v2, v1  }
0x71: {  	v7 =	vsub.s32 v2, v3;
	v3 =	vsub.s32 v2, v4;
	v12 =	vsub.s32 v2, v5  }
0x72: {  	s3 =	simm.s32 $0x0;
	s5 =	sand.u32 $0xC00, s19;
	s25 =	simm.s32 $0x0;
	vm2 =	vlt.u32 v6, $0x11;
	v8 =	vadd.s32 $0x2, v6;
	v4 =	vadd.s32 $0x2, v7  }
0x73: {  	s24 =	sand.u32 $0x40, s19;
	s0 =	sand.u32 $0x1000, s3;
	s1 =	simm.s32 $0x0;
	v1 =	vld [tilespmem:s4+$0x10];
	v9 =	vadd.s32 $0x3, v7;
	vm1 =	vlt.u32 v7, $0x11;
	v10 =	vadd.s32 $0x1, v7  }
0x74: {  	s9 =	simm.s32 $0x10;
	s0 =	sor.u32 s5, s0;
	s1 =	sand.u32 $0x380, s1;
	v11 =	vadd.s32 $0x1, v6;
	v7 =	vld [tilespmem:s4+$0xFFFFFFF0];
	v6 =	vadd.s32 $0x3, v6;
	v13 =	vadd.s32 $0x1, v12  }
0x75: {  	s28 =	simm.s32 $0x40;
	s30 =	simm.s32 $0x60E0;
	s23 =	sor.u32 s1, s0;
	vm6 =	vlt.u32 v12, $0x11;
	vm0 =	vlt.u32 v9, $0x11;
	v9 =	vnsel vm2, $0x0, v0  }
0x76: {  	s17 =	simm.s32 $0x20;
	s29 =	sand.u32 $0x50, s9;
	s31 =	sadd.s32 $0x8080, s23;
	vm2 =	vlt.u32 v10, $0x11;
	vm3 =	vlt.u32 v11, $0x11;
	v10 =	vadd.s32 $0x1, v3  }
0x77: {  	s5 =	simm.s32 $0x30;
	s26 =	sadd.s32 $0xA080, s23;
	s6 =	sor.u32 s24, s31;
	vm4 =	vlt.u32 v4, $0x11;
	vm5 =	vlt.u32 v8, $0x11;
	v4 =	vnsel vm3, $0x0, v0  }
0x78: {  	s9 =	simm.s32 $0x40E0;
	s22 =	sand.u32 $0x70, s5;
	s8 =	sor.u32 s24, s26;
	vm3 =	vlt.u32 v3, $0x11;
	[tilespmem:s6+$0x0] =	vst v9;
	v5 =	vnsel vm4, $0x0, v1;
	vm4 =	vlt.u32 v10, $0x11  }
0x79: {  	s0 =	simm.s32 $0x200;
	s11 =	sor.u32 s22, s31;
	s16 =	sor.u32 s29, s31;
	[tilespmem:s8+$0x0] =	vst v4;
	v4 =	vld [tilespmem:s4+$0x0];
	v10 =	vadd.s32 $0x2, v12;
	v8 =	vnsel vm6, $0x0, v7;
	vm6 =	vlt.u32 v13, $0x11  }
0x7a: {  	s1 =	sor.u32 s22, s26;
	s5 =	sor.u32 s29, s26;
	s4 =	sand.u32 $0x60, s17;
	[tilespmem:s16+$0x0] =	vst v8;
	v9 =	vnsel vm6, $0x0, v7;
	vm6 =	vlt.u32 v10, $0x11;
	v8 =	vadd.s32 $0x3, v12  }
.LBB2_5:
0x7b: {  	s25 =	sadd.s32 $0x4, s25;
	v10 =	vld [tilespmem:s9+$0xFFFFFFE0];
	s6 =	sadd.s32 $0xC080, s23;
	[tilespmem:s5+$0x0] =	vst v9;
	v9 =	vnsel vm6, $0x0, v7;
	vm6 =	vlt.u32 v8, $0x11;
	s5 =	sor.u32 s4, s31;
	v8 =	vnsel vm1, $0x0, v1  }
0x7c: {  	s3 =	sor.u32 s4, s26;
	s31 =	sshll.u32 s25, $0x4;
	s8 =	sshll.u32 s25, $0x2;
	v11 =	vld [tilespmem:s9+$0x10];
	v12 =	vnsel vm6, $0x0, v7;
	v7 =	vadd.s32 $0x2, v3;
	[tilespmem:s11+$0x0] =	vst v8;
	v8 =	vnsel vm2, $0x0, v1  }
0x7d: {  	s26 =	sand.u32 $0xC00, s0;
	v14 =	vnsel vm5, $0x0, v0;
	vm1 =	vlt.u32 v6, $0x11;
	s11 =	sand.u32 $0x1000, s31;
	v13 =	vld [tilespmem:s9+$0x0];
	s31 =	sor.u32 s24, s6;
	vm2 =	vlt.u32 v7, $0x11;
	[tilespmem:s1+$0x0] =	vst v8  }
0x7e: {  	v3 =	vadd.s32 $0x3, v3;
	s16 =	sor.u32 s22, s6;
	s1 =	sand.u32 $0x380, s8;
	v8 =	vnsel vm1, $0x0, v0;
	v7 =	vnsel vm3, $0x0, v4;
	s8 =	sor.u32 s26, s11;
	v6 =	vld [tilespmem:s9+$0xFFFFFFF0];
	[tilespmem:s31+$0x0] =	vst v14  }
0x7f: {  	s17 =	sor.u32 s29, s6;
	vm1 =	vlt.u32 v3, $0x11;
	v14 =	vnsel vm0, $0x0, v1;
	v0 =	vld [tilespmem:s30+$0xFFFFFFE0];
	s8 =	sor.u32 s1, s8;
	s1 =	sadd.s32 $0x30, s28;
	[tilespmem:s5+$0x0] =	vst v7;
	v7 =	vnsel vm4, $0x0, v4  }
0x80: {  	v15 =	vnsel vm1, $0x0, v4;
	v10 =	vsub.s32 v2, v10;
	s31 =	sadd.s32 $0x8080, s8;
	s26 =	sadd.s32 $0xA080, s8;
	s5 =	sand.u32 $0x70, s1;
	[tilespmem:s3+$0x0] =	vst v7;
	v7 =	vnsel vm2, $0x0, v4  }
0x81: {  	s3 =	sor.u32 s4, s6;
	vm2 =	vlt.u32 v10, $0x11;
	v16 =	vadd.s32 $0x2, v10;
	v1 =	vld [tilespmem:s30+$0x10];
	v11 =	vsub.s32 v2, v11;
	s11 =	sor.u32 s5, s31;
	s1 =	sor.u32 s5, s26;
	[tilespmem:s17+$0x0] =	vst v9  }
0x82: {  	p1 =	slt.u32 s25, $0x1FC;
	s6 =	sadd.s32 $0xE080, s23;
	s23 =	smov.u32 s8;
	v4 =	vld [tilespmem:s30+$0x0];
	v3 =	vsub.s32 v2, v13;
	v9 =	vadd.s32 $0x2, v11;
	v13 =	vadd.s32 $0x3, v11;
	[tilespmem:s3+$0x0] =	vst v7  }
0x83: {  	s8 =	sor.u32 s29, s6;
	vm1 =	vlt.u32 v11, $0x11;
	v11 =	vadd.s32 $0x1, v11;
	s3 =	sor.u32 s24, s6;
	s24 =	sand.u32 $0x40, s28;
	vm0 =	vlt.u32 v13, $0x11;
	[tilespmem:s16+$0x0] =	vst v5  }
0x84: {  	s4 =	sor.u32 s4, s6;
	s6 =	sor.u32 s22, s6;
	s16 =	sor.u32 s24, s31;
	v13 =	vadd.s32 $0x1, v10;
	v17 =	vsub.s32 v2, v6;
	v5 =	vnsel vm2, $0x0, v0;
	v7 =	vld [tilespmem:s30+$0xFFFFFFF0];
	[tilespmem:s8+$0x0] =	vst v12  }
0x85: {  	s22 =	smov.u32 s5;
	v6 =	vadd.s32 $0x3, v10;
	v10 =	vadd.s32 $0x1, v17;
	vm2 =	vlt.u32 v11, $0x11;
	[tilespmem:s4+$0x0] =	vst v15;
	s4 =	smov.u32 s28  }
.Ltmp1:
0x86: {  	s5 =	sor.u32 s24, s26;
	vm4 =	vlt.u32 v9, $0x11;
	vm3 =	vlt.u32 v13, $0x11;
	v11 =	vadd.s32 $0x1, v3;
	[tilespmem:s16+$0x0] =	vst v5;
	(pc) =	sbr.rel @p1 .LBB2_5-.Ltmp1, $4  }
0x87: {  	s8 =	sadd.s32 $0x10, s28;
	v9 =	vnsel vm3, $0x0, v0;
	vm3 =	vlt.u32 v3, $0x11;
	v5 =	vnsel vm4, $0x0, v1;
	[tilespmem:s3+$0x0] =	vst v8  }
0x88: {  	vm5 =	vlt.u32 v16, $0x11;
	vm6 =	vlt.u32 v17, $0x11;
	s30 =	sadd.s32 $0x40, s30;
	s29 =	sand.u32 $0x50, s8;
	s28 =	sadd.s32 $0x40, s28;
	vm4 =	vlt.u32 v11, $0x11;
	[tilespmem:s6+$0x0] =	vst v14  }
0x89: {  	s0 =	sadd.s32 $0x200, s0;
	s4 =	sadd.s32 $0x20, s4;
	s3 =	sor.u32 s29, s31;
	[tilespmem:s5+$0x0] =	vst v9;
	v8 =	vnsel vm6, $0x0, v7;
	vm6 =	vlt.u32 v10, $0x11;
	v10 =	vadd.s32 $0x2, v17  }
0x8a: {  	s9 =	sadd.s32 $0x40, s9;
	s4 =	sand.u32 $0x60, s4;
	s5 =	sor.u32 s29, s26;
	[tilespmem:s3+$0x0] =	vst v8;
	v9 =	vnsel vm6, $0x0, v7;
	vm6 =	vlt.u32 v10, $0x11;
	v8 =	vadd.s32 $0x3, v17  }
0x8b: {  	[tilespmem:s5+$0x0] =	vst v9;
	v2 =	vnsel vm1, $0x0, v1  }
0x8c: {  	s0 =	sadd.s32 $0xC080, s23;
	[tilespmem:s11+$0x0] =	vst v2;
	v2 =	vnsel vm2, $0x0, v1  }
0x8d: {  	v9 =	vnsel vm5, $0x0, v0;
	s3 =	sor.u32 s24, s0;
	[tilespmem:s1+$0x0] =	vst v2  }
0x8e: {  	s25 =	sor.u32 s4, s26;
	v10 =	vnsel vm6, $0x0, v7;
	s26 =	sor.u32 s29, s0;
	[tilespmem:s3+$0x0] =	vst v9  }
0x8f: {  	s17 =	sor.u32 s4, s31;
	v2 =	vnsel vm3, $0x0, v4;
	[tilespmem:s26+$0x0] =	vst v10  }
0x90: {  	s6 =	sadd.s32 $0xE080, s23;
	s5 =	sor.u32 s4, s0;
	s0 =	sor.u32 s22, s0;
	vm2 =	vlt.u32 v6, $0x11;
	[tilespmem:s17+$0x0] =	vst v2  }
0x91: {  	s16 =	sor.u32 s24, s6;
	v0 =	vnsel vm2, $0x0, v0;
	[tilespmem:s0+$0x0] =	vst v5  }
0x92: {  	v9 =	vadd.s32 $0x2, v3;
	v2 =	vnsel vm4, $0x0, v4;
	[tilespmem:s16+$0x0] =	vst v0  }
0x93: {  	v1 =	vnsel vm0, $0x0, v1;
	s22 =	sor.u32 s22, s6;
	vm1 =	vlt.u32 v9, $0x11;
	[tilespmem:s25+$0x0] =	vst v2  }
0x94: {  	s11 =	sshll.u32 s20, $0x15;
	v3 =	vadd.s32 $0x3, v3;
	v2 =	vnsel vm1, $0x0, v4;
	vm1 =	vlt.u32 v8, $0x11;
	[tilespmem:s22+$0x0] =	vst v1  }
0x95: {  	s8 =	sor.u32 s29, s6;
	s17 =	sor.u32 s7, s11;
	[tilespmem:s5+$0x0] =	vst v2;
	v2 =	vnsel vm1, $0x0, v7;
	vm1 =	vlt.u32 v3, $0x11  }
0x96: {  	s9 =	sor.u32 s4, s6;
	s0 =	sshrl.u32 s17, $0x3;
	v3 =	vnsel vm1, $0x0, v4;
	[tilespmem:s8+$0x0] =	vst v2  }
0x97: {  	s0 =	sadd.s32 s2, s0;
	[tilespmem:s9+$0x0] =	vst v3  }
0x98: {  	[hbm4b:s0+s12] =	stream.strided.scatter [tilespmem:s14], [sflag:$0x1], $0x8000, s13, s12, $0x38;
	[tilespmem:$0x18080] =	vst v63  }
0x99: {  	s0 =	simm.s32 @!p0 $0x2  }
0x9a: {  	_ =	swait.ge @!p0 [sflag:s0], $0x8000  }
0x9b: {  	[sflag:s0] =	ssyncset.done @!p0 $0x0  }
0x9c: {  	s23 =	simm.s32 $0x40A0;
	[sflag:s0] =	ssyncadd.s32 @!p0 $0xFFFF8000  }
0x9d: {  	v1 =	vld [tilespmem:s23+$0xFFFFFFE0]  }
0x9e: {  	v3 =	vld [tilespmem:s23+$0x10]  }
0x9f: {  	v4 =	vld [tilespmem:s23+$0x0]  }
0xa0: {  	v5 =	vld [tilespmem:s23+$0xFFFFFFF0];
	_ =	sdelay $0x1  }
0xa1: {  	s21 =	sor.u32 $0x4, s21  }
0xa2: {  	s3 =	simm.s32 $0x60A0;
	v2 =	vmov s21  }
0xa3: {  	v0 =	vld [tilespmem:s3+$0xFFFFFFE0];
	v6 =	vsub.s32 v2, v1  }
0xa4: {  	s28 =	simm.s32 $0x40;
	v7 =	vsub.s32 v2, v3;
	v3 =	vsub.s32 v2, v4;
	v12 =	vsub.s32 v2, v5  }
0xa5: {  	s30 =	simm.s32 $0x60E0;
	s24 =	simm.s32 $0x0;
	s4 =	simm.s32 $0x0;
	vm2 =	vlt.u32 v6, $0x11;
	v8 =	vadd.s32 $0x2, v6;
	v4 =	vadd.s32 $0x2, v7  }
0xa6: {  	s1 =	sand.u32 $0x1000, s4;
	s6 =	sand.u32 $0xC00, s24;
	s5 =	simm.s32 $0x0;
	v1 =	vld [tilespmem:s3+$0x10];
	v9 =	vadd.s32 $0x3, v7;
	vm1 =	vlt.u32 v7, $0x11;
	v10 =	vadd.s32 $0x1, v7  }
0xa7: {  	s24 =	sand.u32 $0x40, s24;
	s1 =	sor.u32 s6, s1;
	s4 =	sand.u32 $0x380, s5;
	v11 =	vadd.s32 $0x1, v6;
	v7 =	vld [tilespmem:s3+$0xFFFFFFF0];
	v6 =	vadd.s32 $0x3, v6;
	v13 =	vadd.s32 $0x1, v12  }
0xa8: {  	s16 =	simm.s32 $0x10;
	s6 =	simm.s32 $0x20;
	s23 =	sor.u32 s4, s1;
	vm6 =	vlt.u32 v12, $0x11;
	vm0 =	vlt.u32 v9, $0x11;
	v9 =	vnsel vm2, $0x0, v0  }
0xa9: {  	s25 =	simm.s32 $0x0;
	s29 =	sand.u32 $0x50, s16;
	s31 =	sadd.s32 $0x10080, s23;
	vm2 =	vlt.u32 v10, $0x11;
	vm3 =	vlt.u32 v11, $0x11;
	v10 =	vadd.s32 $0x1, v3  }
0xaa: {  	s8 =	simm.s32 $0x30;
	s26 =	sadd.s32 $0x12080, s23;
	s0 =	sor.u32 s24, s31;
	vm4 =	vlt.u32 v4, $0x11;
	vm5 =	vlt.u32 v8, $0x11;
	v4 =	vnsel vm3, $0x0, v0  }
0xab: {  	s22 =	sand.u32 $0x70, s8;
	s4 =	sand.u32 $0x60, s6;
	s9 =	sor.u32 s24, s26;
	vm3 =	vlt.u32 v3, $0x11;
	[tilespmem:s0+$0x0] =	vst v9;
	v5 =	vnsel vm4, $0x0, v1;
	vm4 =	vlt.u32 v10, $0x11  }
0xac: {  	s11 =	sor.u32 s22, s31;
	s1 =	sor.u32 s22, s26;
	s17 =	sor.u32 s29, s31;
	[tilespmem:s9+$0x0] =	vst v4;
	v4 =	vld [tilespmem:s3+$0x0];
	v10 =	vadd.s32 $0x2, v12;
	v8 =	vnsel vm6, $0x0, v7;
	vm6 =	vlt.u32 v13, $0x11  }
0xad: {  	s5 =	sor.u32 s29, s26;
	s0 =	simm.s32 $0x200;
	s9 =	simm.s32 $0x40E0;
	[tilespmem:s17+$0x0] =	vst v8;
	v9 =	vnsel vm6, $0x0, v7;
	vm6 =	vlt.u32 v10, $0x11;
	v8 =	vadd.s32 $0x3, v12  }
.LBB2_7:
0xae: {  	s25 =	sadd.s32 $0x4, s25;
	v10 =	vld [tilespmem:s9+$0xFFFFFFE0];
	s3 =	sadd.s32 $0x14080, s23;
	[tilespmem:s5+$0x0] =	vst v9;
	v9 =	vnsel vm6, $0x0, v7;
	vm6 =	vlt.u32 v8, $0x11;
	s5 =	sor.u32 s4, s31;
	v8 =	vnsel vm1, $0x0, v1  }
0xaf: {  	s16 =	sor.u32 s4, s26;
	s6 =	sshll.u32 s25, $0x4;
	s8 =	sshll.u32 s25, $0x2;
	v11 =	vld [tilespmem:s9+$0x10];
	v12 =	vnsel vm6, $0x0, v7;
	v7 =	vadd.s32 $0x2, v3;
	[tilespmem:s11+$0x0] =	vst v8;
	v8 =	vnsel vm2, $0x0, v1  }
0xb0: {  	v14 =	vnsel vm5, $0x0, v0;
	vm1 =	vlt.u32 v6, $0x11;
	s11 =	sand.u32 $0xC00, s0;
	s17 =	sor.u32 s24, s3;
	s6 =	sand.u32 $0x1000, s6;
	v13 =	vld [tilespmem:s9+$0x0];
	vm2 =	vlt.u32 v7, $0x11;
	[tilespmem:s1+$0x0] =	vst v8  }
0xb1: {  	v3 =	vadd.s32 $0x3, v3;
	s1 =	sand.u32 $0x380, s8;
	v8 =	vnsel vm1, $0x0, v0;
	v7 =	vnsel vm3, $0x0, v4;
	s8 =	sor.u32 s22, s3;
	s6 =	sor.u32 s11, s6;
	v6 =	vld [tilespmem:s9+$0xFFFFFFF0];
	[tilespmem:s17+$0x0] =	vst v14  }
0xb2: {  	vm1 =	vlt.u32 v3, $0x11;
	s17 =	sor.u32 s29, s3;
	v14 =	vnsel vm0, $0x0, v1;
	v0 =	vld [tilespmem:s30+$0xFFFFFFE0];
	s6 =	sor.u32 s1, s6;
	s1 =	sadd.s32 $0x30, s28;
	[tilespmem:s5+$0x0] =	vst v7;
	v7 =	vnsel vm4, $0x0, v4  }
0xb3: {  	v15 =	vnsel vm1, $0x0, v4;
	v10 =	vsub.s32 v2, v10;
	s31 =	sadd.s32 $0x10080, s6;
	s26 =	sadd.s32 $0x12080, s6;
	s5 =	sand.u32 $0x70, s1;
	[tilespmem:s16+$0x0] =	vst v7;
	v7 =	vnsel vm2, $0x0, v4  }
0xb4: {  	s3 =	sor.u32 s4, s3;
	vm2 =	vlt.u32 v10, $0x11;
	v16 =	vadd.s32 $0x2, v10;
	v1 =	vld [tilespmem:s30+$0x10];
	v11 =	vsub.s32 v2, v11;
	s11 =	sor.u32 s5, s31;
	s1 =	sor.u32 s5, s26;
	[tilespmem:s17+$0x0] =	vst v9  }
0xb5: {  	p0 =	slt.u32 s25, $0x1FC;
	s16 =	sadd.s32 $0x16080, s23;
	s23 =	smov.u32 s6;
	v4 =	vld [tilespmem:s30+$0x0];
	v3 =	vsub.s32 v2, v13;
	v9 =	vadd.s32 $0x2, v11;
	v13 =	vadd.s32 $0x3, v11;
	[tilespmem:s3+$0x0] =	vst v7  }
0xb6: {  	s6 =	sor.u32 s29, s16;
	vm1 =	vlt.u32 v11, $0x11;
	v11 =	vadd.s32 $0x1, v11;
	s3 =	sor.u32 s24, s16;
	s24 =	sand.u32 $0x40, s28;
	vm0 =	vlt.u32 v13, $0x11;
	[tilespmem:s8+$0x0] =	vst v5  }
0xb7: {  	s4 =	sor.u32 s4, s16;
	s8 =	sor.u32 s24, s31;
	v13 =	vadd.s32 $0x1, v10;
	v17 =	vsub.s32 v2, v6;
	v5 =	vnsel vm2, $0x0, v0;
	v7 =	vld [tilespmem:s30+$0xFFFFFFF0];
	[tilespmem:s6+$0x0] =	vst v12;
	s6 =	sor.u32 s22, s16  }
0xb8: {  	v6 =	vadd.s32 $0x3, v10;
	v10 =	vadd.s32 $0x1, v17;
	vm2 =	vlt.u32 v11, $0x11;
	s22 =	smov.u32 s5;
	[tilespmem:s4+$0x0] =	vst v15;
	s4 =	smov.u32 s28  }
.Ltmp2:
0xb9: {  	vm4 =	vlt.u32 v9, $0x11;
	vm3 =	vlt.u32 v13, $0x11;
	s5 =	sor.u32 s24, s26;
	v11 =	vadd.s32 $0x1, v3;
	[tilespmem:s8+$0x0] =	vst v5;
	(pc) =	sbr.rel @p0 .LBB2_7-.Ltmp2, $4  }
0xba: {  	v9 =	vnsel vm3, $0x0, v0;
	vm3 =	vlt.u32 v3, $0x11;
	s8 =	sadd.s32 $0x10, s28;
	v5 =	vnsel vm4, $0x0, v1;
	[tilespmem:s3+$0x0] =	vst v8  }
0xbb: {  	vm5 =	vlt.u32 v16, $0x11;
	vm6 =	vlt.u32 v17, $0x11;
	s30 =	sadd.s32 $0x40, s30;
	vm4 =	vlt.u32 v11, $0x11;
	s28 =	sadd.s32 $0x40, s28;
	s29 =	sand.u32 $0x50, s8;
	[tilespmem:s6+$0x0] =	vst v14  }
0xbc: {  	s0 =	sadd.s32 $0x200, s0;
	s4 =	sadd.s32 $0x20, s4;
	s3 =	sor.u32 s29, s31;
	[tilespmem:s5+$0x0] =	vst v9;
	v8 =	vnsel vm6, $0x0, v7;
	vm6 =	vlt.u32 v10, $0x11;
	v10 =	vadd.s32 $0x2, v17  }
0xbd: {  	s9 =	sadd.s32 $0x40, s9;
	s4 =	sand.u32 $0x60, s4;
	s5 =	sor.u32 s29, s26;
	[tilespmem:s3+$0x0] =	vst v8;
	v9 =	vnsel vm6, $0x0, v7;
	vm6 =	vlt.u32 v10, $0x11;
	v8 =	vadd.s32 $0x3, v17  }
0xbe: {  	[tilespmem:s5+$0x0] =	vst v9;
	v2 =	vnsel vm1, $0x0, v1  }
0xbf: {  	s9 =	sor.u32 s4, s31;
	v56 =	vnsel vm3, $0x0, v4;
	[tilespmem:s11+$0x0] =	vst v2  }
0xc0: {  	s0 =	sadd.s32 $0x14080, s23;
	v54 =	vnsel vm2, $0x0, v1;
	[tilespmem:s9+$0x0] =	vst v56  }
0xc1: {  	v55 =	vnsel vm5, $0x0, v0;
	s3 =	sor.u32 s24, s0;
	[tilespmem:s1+$0x0] =	vst v54  }
0xc2: {  	v57 =	vadd.s32 $0x2, v3;
	v58 =	vnsel vm4, $0x0, v4;
	s11 =	sor.u32 s4, s26;
	[tilespmem:s3+$0x0] =	vst v55  }
0xc3: {  	v10 =	vnsel vm6, $0x0, v7;
	vm12 =	vlt.u32 v57, $0x11;
	s16 =	sor.u32 s29, s0;
	[tilespmem:s11+$0x0] =	vst v58  }
0xc4: {  	s17 =	sor.u32 s4, s0;
	v59 =	vnsel vm12, $0x0, v4;
	[tilespmem:s16+$0x0] =	vst v10  }
0xc5: {  	vm13 =	vlt.u32 v8, $0x11;
	s23 =	sadd.s32 $0x16080, s23;
	s20 =	sadd.s32 $0x1, s20;
	s0 =	sor.u32 s22, s0;
	[tilespmem:s17+$0x0] =	vst v59  }
0xc6: {  	v60 =	vadd.s32 $0x3, v3;
	vm15 =	vlt.u32 v6, $0x11;
	v61 =	vnsel vm13, $0x0, v7;
	s25 =	sor.u32 s29, s23;
	p0 =	sne.s32 s20, $0x20;
	[tilespmem:s0+$0x0] =	vst v5  }
.Ltmp3:
0xc7: {  	s28 =	sshll.u32 s21, $0x12;
	vm14 =	vlt.u32 v60, $0x11;
	v62 =	vnsel vm15, $0x0, v0;
	s29 =	sor.u32 s24, s23;
	[tilespmem:s25+$0x0] =	vst v61;
	(pc) =	sbr.rel @p0 .LBB2_4-.Ltmp3, $4  }
0xc8: {  	s26 =	sor.u32 s4, s23;
	s30 =	sor.u32 s7, s28;
	v3 =	vnsel vm14, $0x0, v4;
	[tilespmem:s29+$0x0] =	vst v62  }
0xc9: {  	v63 =	vnsel vm0, $0x0, v1;
	s31 =	sor.u32 s22, s23;
	s0 =	sshrl.u32 s30, $0x3;
	[tilespmem:s26+$0x0] =	vst v3  }
0xca: {  	[tilespmem:s31+$0x0] =	vst v63;
	s0 =	sadd.s32 s2, s0  }
0xcb: {  	[hbm4b:s0+s12] =	stream.strided.scatter [tilespmem:s15], [sflag:$0x2], $0x8000, s13, s12, $0x38;
	[tilespmem:$0x18080] =	vst v63  }
0xcc: {  	s0 =	simm.s32 $0x1  }
0xcd: {  	_ =	swait.ge [sflag:s0], $0x8000  }
0xce: {  	[sflag:s0] =	ssyncset.done $0x0  }
0xcf: {  	s1 =	simm.s32 $0x2;
	[sflag:s0] =	ssyncadd.s32 $0xFFFF8000  }
0xd0: {  	_ =	swait.ge [sflag:s1], $0x8000  }
0xd1: {  	s18 =	sadd.s32 $0x1, s18;
	s31 =	rddreg [dreg:$0x6]  }
0xd2: {  	p0 =	sne.s32 s18, s31  }
.Ltmp4:
0xd3: {  	_ = 	snop;
	(pc) =	sbr.rel @p0 .LBB2_1-.Ltmp4, $3  }
0xd4: {  	_ =	sdelay $0x1  }
0xd5: {  	[sflag:s1] =	ssyncset.done $0x0  }
0xd6: {  	[sflag:s1] =	ssyncadd.s32 $0xFFFF8000  }
0xd7: {  	_ =	sfence.sel $0x180000  }
0xd8: {  	[bflag:$0x0] =	sbarrier.arrive $0xFFFF  }
0xd9: {  	_ =	strace $0x90000047  }
0xda: {  	s0 =	stileid.u32;
	[bflag:$0x2] =	sbarrier.arrive $0xFFFF  }
0xdb: {  	p0 =	sne.s32 s0, $0x0;
	s0 =	rddreg [dreg:$0x2]  }
0xdc: {  	s0 =	sadd.s32 @!p0 $0x100000, s0  }
0xdd: {  	[sflag:s0] =	ssyncadd.tile.s32 @!p0 $0x1;
	_ =	shalt  }
.Lfunc_end2:
_tile_overlayer_lowered:
.L_overlay_start_2:
0xde: {  	(tag) =	ssettag $0x2  }
0xdf: {  	s0 =	rddreg [dreg:$0x0];
	s2 =	stileid.u32  }
0xe0: {  	s1 =	rddreg [dreg:$0x1];
	p0 =	sne.s32 s2, $0x0  }
0xe1: {  	s3 =	rddreg [dreg:$0x2];
	[bflag:$0x3] =	sbarrier.arrive $0xFFFF;
	s2 =	simm.s32 @!p0 $0x1C03  }
0xe2: {  	[timem:s3], [sflag:s2] =	dma.local @!p0 [hbm:s0], s1  }
0xe3: {  	s0 =	simm.s32 @!p0 $0x3  }
0xe4: {  	_ =	swait.ge @!p0 [sflag:s0], s1  }
0xe5: {  	s1 =	ssub.s32 @!p0 $0x0, s1;
	[sflag:s0] =	ssyncset.done @!p0 $0x0  }
0xe6: {  	[sflag:s0] =	ssyncadd.s32 @!p0 s1  }
0xe7: {  	[bflag:$0x3] =	sbarrier.arrive $0xFFFF  }
0xe8: {  	_ =	shalt  }

</sc_bundles>
